<compile_context>
chip_gen: v7x
topology: tpu7x:2x2x1
jax: 0.10.2.dev20260603
libtpu: 0.0.44.dev20260713+nightly
codegen_flags: <defaults>
</compile_context>

<pallas_src>
import functools

import jax
import jax.numpy as jnp
from jax import lax
from jax.experimental import pallas as pl
from jax.experimental.pallas import tpu as pltpu
from jax.experimental.pallas import tpu_sc as plsc




def _pair_hist_sc(s_idx, o_idx, num_obj):
    V, E = s_idx.shape
    Oh = num_obj // 2
    NW = num_obj * Oh
    mesh = plsc.VectorSubcoreMesh(core_axis_name="c", subcore_axis_name="s")

    @functools.partial(
        pl.kernel,
        mesh=mesh,
        out_type=jax.ShapeDtypeStruct((V, 2, NW), jnp.int32),
        scratch_types=[
            pltpu.VMEM((E,), jnp.int32),
            pltpu.VMEM((E,), jnp.int32),
            pltpu.VMEM((NW + 16,), jnp.int32),
            pltpu.VMEM((NW + 16,), jnp.int32),
        ],
    )
    def hist(s_hbm, o_hbm, out_hbm, s_v, o_v, acc_a, acc_b):
        wid = lax.axis_index("s") * 2 + lax.axis_index("c")

        z16 = jnp.zeros((16,), jnp.int32)

        def zero_body(i, carry):
            acc_a[pl.ds(i * 16, 16)] = z16
            acc_b[pl.ds(i * 16, 16)] = z16
            return carry

        lax.fori_loop(0, (NW + 16) // 16, zero_body, 0)

        pltpu.sync_copy(s_hbm.at[wid], s_v)
        pltpu.sync_copy(o_hbm.at[wid], o_v)

        iota16 = lax.iota(jnp.int32, 16)
        lane0 = jnp.where(iota16 == 0, 1, 0)

        def body(g, carry):
            sv = s_v[pl.ds(g * 16, 16)]
            ov = o_v[pl.ds(g * 16, 16)]
            hi = jnp.where(ov >= Oh, 1, 0)
            words = sv * Oh + ov - hi * Oh
            incs = jnp.where(hi == 1, 1 << 16, 1)
            for l in range(16):
                w = words[l]
                delta = lane0 * incs[l]
                acc = acc_a if l % 2 == 0 else acc_b
                acc[pl.ds(w, 16)] = acc[pl.ds(w, 16)] + delta
            return carry

        lax.fori_loop(0, E // 16, body, 0)

        pltpu.sync_copy(acc_a.at[pl.ds(0, NW)], out_hbm.at[wid, 0])
        pltpu.sync_copy(acc_b.at[pl.ds(0, NW)], out_hbm.at[wid, 1])

    return hist(s_idx, o_idx)




def _unpack_counts(c_blk):
    w = c_blk[0] + c_blk[1]
    lo = (w & 0xFFFF).astype(jnp.float32)
    hi = (w >> 16).astype(jnp.float32)
    return lo, hi


def _stats1_body(x_ref, c_ref, stat_ref):
    v = pl.program_id(0)
    x = x_ref[0]
    lo, hi = _unpack_counts(c_ref[0])
    oh = lo.shape[1]
    x2 = x * x
    cnt_s = (jnp.sum(lo, axis=1, keepdims=True)
             + jnp.sum(hi, axis=1, keepdims=True))
    s_src = jnp.sum(cnt_s * x, axis=0, keepdims=True)
    q_src = jnp.sum(cnt_s * x2, axis=0, keepdims=True)
    co_lo = jnp.sum(lo, axis=0, keepdims=True)
    co_hi = jnp.sum(hi, axis=0, keepdims=True)
    s_dst = (jnp.dot(co_lo, x[:oh], preferred_element_type=jnp.float32)
             + jnp.dot(co_hi, x[oh:], preferred_element_type=jnp.float32))
    q_dst = (jnp.dot(co_lo, x2[:oh], preferred_element_type=jnp.float32)
             + jnp.dot(co_hi, x2[oh:], preferred_element_type=jnp.float32))
    block = jnp.concatenate(
        [s_src, q_src, s_dst, q_dst, jnp.zeros((4, s_src.shape[1]), jnp.float32)],
        axis=0,
    )

    @pl.when(v == 0)
    def _():
        stat_ref[...] = block

    @pl.when(v > 0)
    def _():
        stat_ref[...] += block




def _pool_body(x_ref, c_ref, stat_ref, par_ref, w1_ref, pooled_ref, st2_ref, *, n1, d):
    v = pl.program_id(0)
    x = x_ref[0]
    lo, hi = _unpack_counts(c_ref[0])
    oh = lo.shape[1]
    inv_n1 = 1.0 / n1
    mean_s = stat_ref[0:1] * inv_n1
    var_s = stat_ref[1:2] * inv_n1 - mean_s * mean_s
    mean_d = stat_ref[2:3] * inv_n1
    var_d = stat_ref[3:4] * inv_n1 - mean_d * mean_d
    scale_s = par_ref[0:1] * lax.rsqrt(var_s + 1e-5)
    scale_d = par_ref[1:2] * lax.rsqrt(var_d + 1e-5)
    shift_s = par_ref[2:3] - mean_s * scale_s
    shift_d = par_ref[3:4] - mean_d * scale_d
    c1 = par_ref[4:5]

    a_in = jnp.maximum(x * scale_s + shift_s, 0.0).astype(jnp.bfloat16)
    b_in = jnp.maximum(x * scale_d + shift_d, 0.0).astype(jnp.bfloat16)
    w1 = w1_ref[...].astype(jnp.bfloat16)
    A = jnp.dot(a_in, w1[0:d], preferred_element_type=jnp.float32)
    B = jnp.dot(b_in, w1[d:2 * d], preferred_element_type=jnp.float32)

    cnt = (jnp.sum(lo, axis=1, keepdims=True)
           + jnp.sum(hi, axis=1, keepdims=True))
    Bb = B.astype(jnp.bfloat16)
    CB = (jnp.dot(lo.astype(jnp.bfloat16), Bb[:oh],
                  preferred_element_type=jnp.float32)
          + jnp.dot(hi.astype(jnp.bfloat16), Bb[oh:],
                    preferred_element_type=jnp.float32))
    num = cnt * (A + c1) + CB
    pooled = num / jnp.maximum(cnt, 1.0)
    pooled_ref[0] = pooled

    s2 = jnp.sum(pooled, axis=0, keepdims=True)
    q2 = jnp.sum(pooled * pooled, axis=0, keepdims=True)
    block = jnp.concatenate(
        [s2, q2, jnp.zeros((6, s2.shape[1]), jnp.float32)], axis=0)

    @pl.when(v == 0)
    def _():
        st2_ref[...] = block

    @pl.when(v > 0)
    def _():
        st2_ref[...] += block




def _out_body(p_ref, st2_ref, par_ref, w2_ref, out_ref, *, n2):
    g, o, d = p_ref.shape
    p = p_ref[...].reshape(g * o, d)
    inv_n2 = 1.0 / n2
    mean2 = st2_ref[0:1] * inv_n2
    var2 = st2_ref[1:2] * inv_n2 - mean2 * mean2
    scale2 = par_ref[5:6] * lax.rsqrt(var2 + 1e-5)
    shift2 = par_ref[6:7] - mean2 * scale2
    y = jnp.maximum(p * scale2 + shift2, 0.0)
    out = jnp.dot(y, w2_ref[...], preferred_element_type=jnp.float32) + par_ref[7:8]
    out_ref[...] = out.reshape(g, o, d)




def _tc_pipeline(obj_vecs, C, params8, W1, W2, n1, interpret=False):
    V, O, D = obj_vecs.shape
    full = lambda shape: pl.BlockSpec(shape, lambda v: (0,) * len(shape))
    per_v = lambda shape: pl.BlockSpec((1,) + shape, lambda v: (v,) + (0,) * len(shape))

    stats1 = pl.pallas_call(
        _stats1_body,
        grid=(V,),
        in_specs=[per_v((O, D)), per_v((2, O, O // 2))],
        out_specs=full((8, D)),
        out_shape=jax.ShapeDtypeStruct((8, D), jnp.float32),
        interpret=interpret,
    )(obj_vecs, C)

    pooled, stats2 = pl.pallas_call(
        functools.partial(_pool_body, n1=float(n1), d=D),
        grid=(V,),
        in_specs=[per_v((O, D)), per_v((2, O, O // 2)), full((8, D)),
                  full((8, D)), full((2 * D, D))],
        out_specs=[per_v((O, D)), full((8, D))],
        out_shape=[jax.ShapeDtypeStruct((V, O, D), jnp.float32),
                   jax.ShapeDtypeStruct((8, D), jnp.float32)],
        interpret=interpret,
    )(obj_vecs, C, stats1, params8, W1)

    G3 = 4
    per_g = pl.BlockSpec((G3, O, D), lambda v: (v, 0, 0))
    out = pl.pallas_call(
        functools.partial(_out_body, n2=float(V * O)),
        grid=(V // G3,),
        in_specs=[per_g, full((8, D)), full((8, D)), full((D, D))],
        out_specs=per_g,
        out_shape=jax.ShapeDtypeStruct((V, O, D), jnp.float32),
        interpret=interpret,
    )(pooled, stats2, params8, W2)
    return out


def kernel(obj_vecs, edges, g1, b1, W1, c1, g2, b2, W2, c2):
    V, O, D = obj_vecs.shape
    E = edges.shape[1]
    s_idx = edges[:, :, 0]
    o_idx = edges[:, :, 2]
    params8 = jnp.stack([g1[:D], g1[D:], b1[:D], b1[D:], c1, g2, b2, c2], axis=0)

    C = _pair_hist_sc(s_idx, o_idx, O).reshape(V, 2, O, O // 2)

    return _tc_pipeline(obj_vecs, C, params8, W1, W2, V * E)

# --- scband reference (transcript-rebuilt; emitter-appended) ---
"""Pipeline reference for scband-graph-edge-conv-36120674960046 (READ-ONLY COPY).

The authoritative reference and input builder live on the scoring server;
editing this copy changes nothing except your own understanding.
"""

import jax, jax.numpy as jnp
import numpy as np

V, O, E, D = 32, 320, 10240, 128


def setup_inputs(seed: int = 0) -> dict:
    key = jax.random.key(seed)
    ks = jax.random.split(key, 8)
    obj_vecs = jax.random.normal(ks[0], (V, O, D), dtype=jnp.float32)
    edges = jax.random.randint(ks[1], (V, E, 3), 0, O, dtype=jnp.int32)
    # net_node2edge: BatchNorm1d(2D) -> ReLU -> Linear(2D, D) (pre-activation block)
    std1 = float(np.sqrt(2.0 / ((1.0 + 2.0 ** 2) * (2 * D))))  # kaiming_normal_ a=2
    g1 = jnp.ones((2 * D,), jnp.float32)
    b1 = jnp.zeros((2 * D,), jnp.float32)
    W1 = jax.random.normal(ks[2], (2 * D, D), jnp.float32) * std1
    c1 = jnp.zeros((D,), jnp.float32)
    # net_edge2node: BatchNorm1d(D) -> ReLU -> Linear(D, D)
    std2 = float(np.sqrt(2.0 / ((1.0 + 2.0 ** 2) * D)))
    g2 = jnp.ones((D,), jnp.float32)
    b2 = jnp.zeros((D,), jnp.float32)
    W2 = jax.random.normal(ks[3], (D, D), jnp.float32) * std2
    c2 = jnp.zeros((D,), jnp.float32)
    return {"obj_vecs": obj_vecs, "edges": edges, "g1": g1, "b1": b1, "W1": W1, "c1": c1,
            "g2": g2, "b2": b2, "W2": W2, "c2": c2}


def _bn_relu_lin(x, g, b, W, c):
    # training-mode BatchNorm1d over the flattened batch dim, then ReLU, then Linear
    m = jnp.mean(x, axis=0)
    v = jnp.var(x, axis=0)
    x = (x - m) / jnp.sqrt(v + 1e-5) * g + b
    x = jax.nn.relu(x)
    return x @ W + c


def reference(obj_vecs, edges, g1, b1, W1, c1, g2, b2, W2, c2):
    Vv, Oo, Dd = obj_vecs.shape
    Ee = edges.shape[1]
    s_idx = edges[:, :, 0]
    o_idx = edges[:, :, 2]
    s_full = jnp.broadcast_to(s_idx[:, :, None], (Vv, Ee, Dd))
    o_full = jnp.broadcast_to(o_idx[:, :, None], (Vv, Ee, Dd))
    src_obj = jnp.take_along_axis(obj_vecs, s_full, axis=1)
    dst_obj = jnp.take_along_axis(obj_vecs, o_full, axis=1)
    node_obj = jnp.concatenate([src_obj, dst_obj], axis=-1).reshape(-1, 2 * Dd)
    edge_obj = _bn_relu_lin(node_obj, g1, b1, W1, c1).reshape(Vv, Ee, Dd)

    def pool_one(eo, idx):
        s = jnp.zeros((Oo, Dd), eo.dtype).at[idx].add(eo)
        cnt = jnp.zeros((Oo,), eo.dtype).at[idx].add(1.0)
        return s / jnp.clip(cnt, 1.0, None)[:, None]

    pooled = jax.vmap(pool_one)(edge_obj, s_idx)
    out = _bn_relu_lin(pooled.reshape(-1, Dd), g2, b2, W2, c2).reshape(Vv, Oo, Dd)
    return out

if __name__ == "__main__":
    import jax
    _d = setup_inputs()
    print(jax.jit(kernel)(*tuple(_d.values())))

</pallas_src>

<mosaic_0001>
#map = affine_map<(d0, d1) -> (0, 0)>
#map1 = affine_map<(d0, d1) -> (0, 0, 0)>
module attributes {stable_mosaic.version = 14 : i64} {
  func.func @hist(%arg0: i32, %arg1: i32, %arg2: memref<32x10240xi32, #tpu.memory_space<hbm>>, %arg3: memref<32x10240xi32, #tpu.memory_space<hbm>>, %arg4: memref<32x2x51200xi32, #tpu.memory_space<hbm>>, %arg5: memref<10240xi32, #tpu.memory_space<vmem>>, %arg6: memref<10240xi32, #tpu.memory_space<vmem>>, %arg7: memref<51216xi32, #tpu.memory_space<vmem>>, %arg8: memref<51216xi32, #tpu.memory_space<vmem>>) attributes {dimension_semantics = [#tpu.dimension_semantics<core_parallel>, #tpu.dimension_semantics<subcore_parallel>], iteration_bounds = array<i64: 2, 16>, scalar_prefetch = 0 : i64, scratch_operands = 4 : i64, tpu.core_type = #tpu.core_type<sc_vector_subcore>, window_params = [{transform_indices = #map}, {transform_indices = #map}, {transform_indices = #map1}]} {
    %mul3A = arith.constant 2 : i32
    %mul3A_0 = arith.muli %arg1, %mul3A : i32
    %add3A = arith.addi %mul3A_0, %arg0 : i32
    %broadcast_in_dim3A = arith.constant 0 : i32
    %broadcast_in_dim3A_1 = vector.broadcast %broadcast_in_dim3A : i32 to vector<16xi32>
    %scan3A = arith.constant 0 : i32
    %scan3A_2 = arith.constant 0 : i32
    %scan3A_3 = arith.constant 3201 : i32
    %scan3A_4 = arith.addi %scan3A_2, %scan3A_3 : i32
    %scan3A_5 = arith.constant 1 : i32
    scf.for %scan3A_19 = %scan3A_2 to %scan3A_4 step %scan3A_5  : i32 {
      %mul3A_20 = arith.constant 16 : i32
      %mul3A_21 = arith.muli %scan3A_19, %mul3A_20 : i32
      %swap3A = arith.index_cast %mul3A_21 : i32 to index
      %swap3A_22 = tpu.vector_load %arg7[%swap3A] {strides = array<i32>} : memref<51216xi32, #tpu.memory_space<vmem>>, vector<16xi32>,
      %swap3A_23 = vector.shape_cast %swap3A_22 : vector<16xi32> to vector<16xi32>
      %swap3A_24 = vector.shape_cast %broadcast_in_dim3A_1 : vector<16xi32> to vector<16xi32>
      tpu.vector_store %arg7[%swap3A], %swap3A_24 {strides = array<i32>} : memref<51216xi32, #tpu.memory_space<vmem>>, vector<16xi32>,
      %mul3A_25 = arith.constant 16 : i32
      %mul3A_26 = arith.muli %scan3A_19, %mul3A_25 : i32
      %swap3A_27 = arith.index_cast %mul3A_26 : i32 to index
      %swap3A_28 = tpu.vector_load %arg8[%swap3A_27] {strides = array<i32>} : memref<51216xi32, #tpu.memory_space<vmem>>, vector<16xi32>,
      %swap3A_29 = vector.shape_cast %swap3A_28 : vector<16xi32> to vector<16xi32>
      %swap3A_30 = vector.shape_cast %broadcast_in_dim3A_1 : vector<16xi32> to vector<16xi32>
      tpu.vector_store %arg8[%swap3A_27], %swap3A_30 {strides = array<i32>} : memref<51216xi32, #tpu.memory_space<vmem>>, vector<16xi32>,
    }
    %scan3A_6 = arith.constant 3201 : i32
    "tpu.region"() ({
      %run_scoped3A_19 = tpu.sem_alloc : memref<!tpu.dma_semaphore, #tpu.memory_space<semaphore_mem>>
      %dma_start3A = arith.constant 0 : i32
      %dma_start3A_20 = tpu.memref_slice %arg2[%add3A, %dma_start3A] : memref<32x10240xi32, #tpu.memory_space<hbm>> -> memref<1x10240xi32, #tpu.memory_space<hbm>>
      %dma_start3A_21 = tpu.memref_squeeze %dma_start3A_20 : memref<1x10240xi32, #tpu.memory_space<hbm>> -> memref<10240xi32, #tpu.memory_space<hbm>>
      %dma_start3A_22 = arith.constant 0 : i32
      %dma_start3A_23 = tpu.memref_slice %arg2[%add3A, %dma_start3A_22] : memref<32x10240xi32, #tpu.memory_space<hbm>> -> memref<1x10240xi32, #tpu.memory_space<hbm>>
      %dma_start3A_24 = tpu.memref_squeeze %dma_start3A_23 : memref<1x10240xi32, #tpu.memory_space<hbm>> -> memref<10240xi32, #tpu.memory_space<hbm>>
      tpu.enqueue_dma source(%dma_start3A_24 : memref<10240xi32, #tpu.memory_space<hbm>>) target(%arg5 : memref<10240xi32, #tpu.memory_space<vmem>>) target_semaphore(%run_scoped3A_19 : memref<!tpu.dma_semaphore, #tpu.memory_space<semaphore_mem>>)
      %dma_wait3A = arith.constant 0 : i32
      %dma_wait3A_25 = tpu.memref_slice %arg2[%add3A, %dma_wait3A] : memref<32x10240xi32, #tpu.memory_space<hbm>> -> memref<1x10240xi32, #tpu.memory_space<hbm>>
      %dma_wait3A_26 = tpu.memref_squeeze %dma_wait3A_25 : memref<1x10240xi32, #tpu.memory_space<hbm>> -> memref<10240xi32, #tpu.memory_space<hbm>>
      %dma_wait3A_27 = arith.constant 0 : i32
      %dma_wait3A_28 = tpu.memref_slice %arg2[%add3A, %dma_wait3A_27] : memref<32x10240xi32, #tpu.memory_space<hbm>> -> memref<1x10240xi32, #tpu.memory_space<hbm>>
      %dma_wait3A_29 = tpu.memref_squeeze %dma_wait3A_28 : memref<1x10240xi32, #tpu.memory_space<hbm>> -> memref<10240xi32, #tpu.memory_space<hbm>>
      tpu.wait_dma2 semaphore(%run_scoped3A_19 : memref<!tpu.dma_semaphore, #tpu.memory_space<semaphore_mem>>) src(%dma_wait3A_29 : memref<10240xi32, #tpu.memory_space<hbm>>) dst(%arg5 : memref<10240xi32, #tpu.memory_space<vmem>>)
      tpu.yield
    }) : () -> ()
    "tpu.region"() ({
      %run_scoped3A_19 = tpu.sem_alloc : memref<!tpu.dma_semaphore, #tpu.memory_space<semaphore_mem>>
      %dma_start3A = arith.constant 0 : i32
      %dma_start3A_20 = tpu.memref_slice %arg3[%add3A, %dma_start3A] : memref<32x10240xi32, #tpu.memory_space<hbm>> -> memref<1x10240xi32, #tpu.memory_space<hbm>>
      %dma_start3A_21 = tpu.memref_squeeze %dma_start3A_20 : memref<1x10240xi32, #tpu.memory_space<hbm>> -> memref<10240xi32, #tpu.memory_space<hbm>>
      %dma_start3A_22 = arith.constant 0 : i32
      %dma_start3A_23 = tpu.memref_slice %arg3[%add3A, %dma_start3A_22] : memref<32x10240xi32, #tpu.memory_space<hbm>> -> memref<1x10240xi32, #tpu.memory_space<hbm>>
      %dma_start3A_24 = tpu.memref_squeeze %dma_start3A_23 : memref<1x10240xi32, #tpu.memory_space<hbm>> -> memref<10240xi32, #tpu.memory_space<hbm>>
      tpu.enqueue_dma source(%dma_start3A_24 : memref<10240xi32, #tpu.memory_space<hbm>>) target(%arg6 : memref<10240xi32, #tpu.memory_space<vmem>>) target_semaphore(%run_scoped3A_19 : memref<!tpu.dma_semaphore, #tpu.memory_space<semaphore_mem>>)
      %dma_wait3A = arith.constant 0 : i32
      %dma_wait3A_25 = tpu.memref_slice %arg3[%add3A, %dma_wait3A] : memref<32x10240xi32, #tpu.memory_space<hbm>> -> memref<1x10240xi32, #tpu.memory_space<hbm>>
      %dma_wait3A_26 = tpu.memref_squeeze %dma_wait3A_25 : memref<1x10240xi32, #tpu.memory_space<hbm>> -> memref<10240xi32, #tpu.memory_space<hbm>>
      %dma_wait3A_27 = arith.constant 0 : i32
      %dma_wait3A_28 = tpu.memref_slice %arg3[%add3A, %dma_wait3A_27] : memref<32x10240xi32, #tpu.memory_space<hbm>> -> memref<1x10240xi32, #tpu.memory_space<hbm>>
      %dma_wait3A_29 = tpu.memref_squeeze %dma_wait3A_28 : memref<1x10240xi32, #tpu.memory_space<hbm>> -> memref<10240xi32, #tpu.memory_space<hbm>>
      tpu.wait_dma2 semaphore(%run_scoped3A_19 : memref<!tpu.dma_semaphore, #tpu.memory_space<semaphore_mem>>) src(%dma_wait3A_29 : memref<10240xi32, #tpu.memory_space<hbm>>) dst(%arg6 : memref<10240xi32, #tpu.memory_space<vmem>>)
      tpu.yield
    }) : () -> ()
    %iota3A = tpu.iota {dimensions = array<i32: 0>} : vector<16xi32>
    %eq3A = arith.constant 0 : i32
    %eq3A_7 = vector.broadcast %eq3A : i32 to vector<16xi32>
    %eq3A_8 = arith.cmpi eq, %iota3A, %eq3A_7 : vector<16xi32>
    %jit3A = arith.constant 1 : i32
    %jit3A_9 = arith.constant 0 : i32
    %broadcast_in_dim3A_10 = vector.broadcast %jit3A : i32 to vector<16xi32>
    %broadcast_in_dim3A_11 = vector.broadcast %jit3A_9 : i32 to vector<16xi32>
    %select_n3A = arith.select %eq3A_8, %broadcast_in_dim3A_10, %broadcast_in_dim3A_11 : vector<16xi1>, vector<16xi32>
    %scan3A_12 = arith.constant 0 : i32
    %scan3A_13 = arith.constant 0 : i32
    %scan3A_14 = arith.constant 640 : i32
    %scan3A_15 = arith.addi %scan3A_13, %scan3A_14 : i32
    %scan3A_16 = arith.constant 1 : i32
    scf.for %scan3A_19 = %scan3A_13 to %scan3A_15 step %scan3A_16  : i32 {
      %mul3A_20 = arith.constant 16 : i32
      %mul3A_21 = arith.muli %scan3A_19, %mul3A_20 : i32
      %get3A = arith.index_cast %mul3A_21 : i32 to index
      %get3A_22 = tpu.vector_load %arg5[%get3A] {strides = array<i32>} : memref<10240xi32, #tpu.memory_space<vmem>>, vector<16xi32>,
      %get3A_23 = vector.shape_cast %get3A_22 : vector<16xi32> to vector<16xi32>
      %mul3A_24 = arith.constant 16 : i32
      %mul3A_25 = arith.muli %scan3A_19, %mul3A_24 : i32
      %get3A_26 = arith.index_cast %mul3A_25 : i32 to index
      %get3A_27 = tpu.vector_load %arg6[%get3A_26] {strides = array<i32>} : memref<10240xi32, #tpu.memory_space<vmem>>, vector<16xi32>,
      %get3A_28 = vector.shape_cast %get3A_27 : vector<16xi32> to vector<16xi32>
      %ge3A = arith.constant 160 : i32
      %ge3A_29 = vector.broadcast %ge3A : i32 to vector<16xi32>
      %ge3A_30 = arith.cmpi sge, %get3A_28, %ge3A_29 : vector<16xi32>
      %jit3A_31 = arith.constant 1 : i32
      %jit3A_32 = arith.constant 0 : i32
      %broadcast_in_dim3A_33 = vector.broadcast %jit3A_31 : i32 to vector<16xi32>
      %broadcast_in_dim3A_34 = vector.broadcast %jit3A_32 : i32 to vector<16xi32>
      %select_n3A_35 = arith.select %ge3A_30, %broadcast_in_dim3A_33, %broadcast_in_dim3A_34 : vector<16xi1>, vector<16xi32>
      %mul3A_36 = arith.constant 160 : i32
      %mul3A_37 = vector.broadcast %mul3A_36 : i32 to vector<16xi32>
      %mul3A_38 = arith.muli %get3A_23, %mul3A_37 : vector<16xi32>
      %add3A_39 = arith.addi %mul3A_38, %get3A_28 : vector<16xi32>
      %mul3A_40 = arith.constant 160 : i32
      %mul3A_41 = vector.broadcast %mul3A_40 : i32 to vector<16xi32>
      %mul3A_42 = arith.muli %select_n3A_35, %mul3A_41 : vector<16xi32>
      %sub3A = arith.subi %add3A_39, %mul3A_42 : vector<16xi32>
      %eq3A_43 = arith.constant 1 : i32
      %eq3A_44 = vector.broadcast %eq3A_43 : i32 to vector<16xi32>
      %eq3A_45 = arith.cmpi eq, %select_n3A_35, %eq3A_44 : vector<16xi32>
      %jit3A_46 = arith.constant 65536 : i32
      %jit3A_47 = arith.constant 1 : i32
      %broadcast_in_dim3A_48 = vector.broadcast %jit3A_46 : i32 to vector<16xi32>
      %broadcast_in_dim3A_49 = vector.broadcast %jit3A_47 : i32 to vector<16xi32>
      %select_n3A_50 = arith.select %eq3A_45, %broadcast_in_dim3A_48, %broadcast_in_dim3A_49 : vector<16xi1>, vector<16xi32>
      %slice3A = vector.extract_strided_slice %sub3A {offsets = [0], sizes = [1], strides = [1]} : vector<16xi32> to vector<1xi32>
      %squeeze3A = vector.extract %slice3A[0] : i32 from vector<1xi32>
      %slice3A_51 = vector.extract_strided_slice %select_n3A_50 {offsets = [0], sizes = [1], strides = [1]} : vector<16xi32> to vector<1xi32>
      %squeeze3A_52 = vector.extract %slice3A_51[0] : i32 from vector<1xi32>
      %mul3A_53 = vector.broadcast %squeeze3A_52 : i32 to vector<16xi32>
      %mul3A_54 = arith.muli %select_n3A, %mul3A_53 : vector<16xi32>
      %get3A_55 = arith.index_cast %squeeze3A : i32 to index
      %get3A_56 = tpu.vector_load %arg7[%get3A_55] {strides = array<i32>} : memref<51216xi32, #tpu.memory_space<vmem>>, vector<16xi32>,
      %get3A_57 = vector.shape_cast %get3A_56 : vector<16xi32> to vector<16xi32>
      %add3A_58 = arith.addi %get3A_57, %mul3A_54 : vector<16xi32>
      %swap3A = arith.index_cast %squeeze3A : i32 to index
      %swap3A_59 = tpu.vector_load %arg7[%swap3A] {strides = array<i32>} : memref<51216xi32, #tpu.memory_space<vmem>>, vector<16xi32>,
      %swap3A_60 = vector.shape_cast %swap3A_59 : vector<16xi32> to vector<16xi32>
      %swap3A_61 = vector.shape_cast %add3A_58 : vector<16xi32> to vector<16xi32>
      tpu.vector_store %arg7[%swap3A], %swap3A_61 {strides = array<i32>} : memref<51216xi32, #tpu.memory_space<vmem>>, vector<16xi32>,
      %slice3A_62 = vector.extract_strided_slice %sub3A {offsets = [1], sizes = [1], strides = [1]} : vector<16xi32> to vector<1xi32>
      %squeeze3A_63 = vector.extract %slice3A_62[0] : i32 from vector<1xi32>
      %slice3A_64 = vector.extract_strided_slice %select_n3A_50 {offsets = [1], sizes = [1], strides = [1]} : vector<16xi32> to vector<1xi32>
      %squeeze3A_65 = vector.extract %slice3A_64[0] : i32 from vector<1xi32>
      %mul3A_66 = vector.broadcast %squeeze3A_65 : i32 to vector<16xi32>
      %mul3A_67 = arith.muli %select_n3A, %mul3A_66 : vector<16xi32>
      %get3A_68 = arith.index_cast %squeeze3A_63 : i32 to index
      %get3A_69 = tpu.vector_load %arg8[%get3A_68] {strides = array<i32>} : memref<51216xi32, #tpu.memory_space<vmem>>, vector<16xi32>,
      %get3A_70 = vector.shape_cast %get3A_69 : vector<16xi32> to vector<16xi32>
      %add3A_71 = arith.addi %get3A_70, %mul3A_67 : vector<16xi32>
      %swap3A_72 = arith.index_cast %squeeze3A_63 : i32 to index
      %swap3A_73 = tpu.vector_load %arg8[%swap3A_72] {strides = array<i32>} : memref<51216xi32, #tpu.memory_space<vmem>>, vector<16xi32>,
      %swap3A_74 = vector.shape_cast %swap3A_73 : vector<16xi32> to vector<16xi32>
      %swap3A_75 = vector.shape_cast %add3A_71 : vector<16xi32> to vector<16xi32>
      tpu.vector_store %arg8[%swap3A_72], %swap3A_75 {strides = array<i32>} : memref<51216xi32, #tpu.memory_space<vmem>>, vector<16xi32>,
      %slice3A_76 = vector.extract_strided_slice %sub3A {offsets = [2], sizes = [1], strides = [1]} : vector<16xi32> to vector<1xi32>
      %squeeze3A_77 = vector.extract %slice3A_76[0] : i32 from vector<1xi32>
      %slice3A_78 = vector.extract_strided_slice %select_n3A_50 {offsets = [2], sizes = [1], strides = [1]} : vector<16xi32> to vector<1xi32>
      %squeeze3A_79 = vector.extract %slice3A_78[0] : i32 from vector<1xi32>
      %mul3A_80 = vector.broadcast %squeeze3A_79 : i32 to vector<16xi32>
      %mul3A_81 = arith.muli %select_n3A, %mul3A_80 : vector<16xi32>
      %get3A_82 = arith.index_cast %squeeze3A_77 : i32 to index
      %get3A_83 = tpu.vector_load %arg7[%get3A_82] {strides = array<i32>} : memref<51216xi32, #tpu.memory_space<vmem>>, vector<16xi32>,
      %get3A_84 = vector.shape_cast %get3A_83 : vector<16xi32> to vector<16xi32>
      %add3A_85 = arith.addi %get3A_84, %mul3A_81 : vector<16xi32>
      %swap3A_86 = arith.index_cast %squeeze3A_77 : i32 to index
      %swap3A_87 = tpu.vector_load %arg7[%swap3A_86] {strides = array<i32>} : memref<51216xi32, #tpu.memory_space<vmem>>, vector<16xi32>,
      %swap3A_88 = vector.shape_cast %swap3A_87 : vector<16xi32> to vector<16xi32>
      %swap3A_89 = vector.shape_cast %add3A_85 : vector<16xi32> to vector<16xi32>
      tpu.vector_store %arg7[%swap3A_86], %swap3A_89 {strides = array<i32>} : memref<51216xi32, #tpu.memory_space<vmem>>, vector<16xi32>,
      %slice3A_90 = vector.extract_strided_slice %sub3A {offsets = [3], sizes = [1], strides = [1]} : vector<16xi32> to vector<1xi32>
      %squeeze3A_91 = vector.extract %slice3A_90[0] : i32 from vector<1xi32>
      %slice3A_92 = vector.extract_strided_slice %select_n3A_50 {offsets = [3], sizes = [1], strides = [1]} : vector<16xi32> to vector<1xi32>
      %squeeze3A_93 = vector.extract %slice3A_92[0] : i32 from vector<1xi32>
      %mul3A_94 = vector.broadcast %squeeze3A_93 : i32 to vector<16xi32>
      %mul3A_95 = arith.muli %select_n3A, %mul3A_94 : vector<16xi32>
      %get3A_96 = arith.index_cast %squeeze3A_91 : i32 to index
      %get3A_97 = tpu.vector_load %arg8[%get3A_96] {strides = array<i32>} : memref<51216xi32, #tpu.memory_space<vmem>>, vector<16xi32>,
      %get3A_98 = vector.shape_cast %get3A_97 : vector<16xi32> to vector<16xi32>
      %add3A_99 = arith.addi %get3A_98, %mul3A_95 : vector<16xi32>
      %swap3A_100 = arith.index_cast %squeeze3A_91 : i32 to index
      %swap3A_101 = tpu.vector_load %arg8[%swap3A_100] {strides = array<i32>} : memref<51216xi32, #tpu.memory_space<vmem>>, vector<16xi32>,
      %swap3A_102 = vector.shape_cast %swap3A_101 : vector<16xi32> to vector<16xi32>
      %swap3A_103 = vector.shape_cast %add3A_99 : vector<16xi32> to vector<16xi32>
      tpu.vector_store %arg8[%swap3A_100], %swap3A_103 {strides = array<i32>} : memref<51216xi32, #tpu.memory_space<vmem>>, vector<16xi32>,
      %slice3A_104 = vector.extract_strided_slice %sub3A {offsets = [4], sizes = [1], strides = [1]} : vector<16xi32> to vector<1xi32>
      %squeeze3A_105 = vector.extract %slice3A_104[0] : i32 from vector<1xi32>
      %slice3A_106 = vector.extract_strided_slice %select_n3A_50 {offsets = [4], sizes = [1], strides = [1]} : vector<16xi32> to vector<1xi32>
      %squeeze3A_107 = vector.extract %slice3A_106[0] : i32 from vector<1xi32>
      %mul3A_108 = vector.broadcast %squeeze3A_107 : i32 to vector<16xi32>
      %mul3A_109 = arith.muli %select_n3A, %mul3A_108 : vector<16xi32>
      %get3A_110 = arith.index_cast %squeeze3A_105 : i32 to index
      %get3A_111 = tpu.vector_load %arg7[%get3A_110] {strides = array<i32>} : memref<51216xi32, #tpu.memory_space<vmem>>, vector<16xi32>,
      %get3A_112 = vector.shape_cast %get3A_111 : vector<16xi32> to vector<16xi32>
      %add3A_113 = arith.addi %get3A_112, %mul3A_109 : vector<16xi32>
      %swap3A_114 = arith.index_cast %squeeze3A_105 : i32 to index
      %swap3A_115 = tpu.vector_load %arg7[%swap3A_114] {strides = array<i32>} : memref<51216xi32, #tpu.memory_space<vmem>>, vector<16xi32>,
      %swap3A_116 = vector.shape_cast %swap3A_115 : vector<16xi32> to vector<16xi32>
      %swap3A_117 = vector.shape_cast %add3A_113 : vector<16xi32> to vector<16xi32>
      tpu.vector_store %arg7[%swap3A_114], %swap3A_117 {strides = array<i32>} : memref<51216xi32, #tpu.memory_space<vmem>>, vector<16xi32>,
      %slice3A_118 = vector.extract_strided_slice %sub3A {offsets = [5], sizes = [1], strides = [1]} : vector<16xi32> to vector<1xi32>
      %squeeze3A_119 = vector.extract %slice3A_118[0] : i32 from vector<1xi32>
      %slice3A_120 = vector.extract_strided_slice %select_n3A_50 {offsets = [5], sizes = [1], strides = [1]} : vector<16xi32> to vector<1xi32>
      %squeeze3A_121 = vector.extract %slice3A_120[0] : i32 from vector<1xi32>
      %mul3A_122 = vector.broadcast %squeeze3A_121 : i32 to vector<16xi32>
      %mul3A_123 = arith.muli %select_n3A, %mul3A_122 : vector<16xi32>
      %get3A_124 = arith.index_cast %squeeze3A_119 : i32 to index
      %get3A_125 = tpu.vector_load %arg8[%get3A_124] {strides = array<i32>} : memref<51216xi32, #tpu.memory_space<vmem>>, vector<16xi32>,
      %get3A_126 = vector.shape_cast %get3A_125 : vector<16xi32> to vector<16xi32>
      %add3A_127 = arith.addi %get3A_126, %mul3A_123 : vector<16xi32>
      %swap3A_128 = arith.index_cast %squeeze3A_119 : i32 to index
      %swap3A_129 = tpu.vector_load %arg8[%swap3A_128] {strides = array<i32>} : memref<51216xi32, #tpu.memory_space<vmem>>, vector<16xi32>,
      %swap3A_130 = vector.shape_cast %swap3A_129 : vector<16xi32> to vector<16xi32>
      %swap3A_131 = vector.shape_cast %add3A_127 : vector<16xi32> to vector<16xi32>
      tpu.vector_store %arg8[%swap3A_128], %swap3A_131 {strides = array<i32>} : memref<51216xi32, #tpu.memory_space<vmem>>, vector<16xi32>,
      %slice3A_132 = vector.extract_strided_slice %sub3A {offsets = [6], sizes = [1], strides = [1]} : vector<16xi32> to vector<1xi32>
      %squeeze3A_133 = vector.extract %slice3A_132[0] : i32 from vector<1xi32>
      %slice3A_134 = vector.extract_strided_slice %select_n3A_50 {offsets = [6], sizes = [1], strides = [1]} : vector<16xi32> to vector<1xi32>
      %squeeze3A_135 = vector.extract %slice3A_134[0] : i32 from vector<1xi32>
      %mul3A_136 = vector.broadcast %squeeze3A_135 : i32 to vector<16xi32>
      %mul3A_137 = arith.muli %select_n3A, %mul3A_136 : vector<16xi32>
      %get3A_138 = arith.index_cast %squeeze3A_133 : i32 to index
      %get3A_139 = tpu.vector_load %arg7[%get3A_138] {strides = array<i32>} : memref<51216xi32, #tpu.memory_space<vmem>>, vector<16xi32>,
      %get3A_140 = vector.shape_cast %get3A_139 : vector<16xi32> to vector<16xi32>
      %add3A_141 = arith.addi %get3A_140, %mul3A_137 : vector<16xi32>
      %swap3A_142 = arith.index_cast %squeeze3A_133 : i32 to index
      %swap3A_143 = tpu.vector_load %arg7[%swap3A_142] {strides = array<i32>} : memref<51216xi32, #tpu.memory_space<vmem>>, vector<16xi32>,
      %swap3A_144 = vector.shape_cast %swap3A_143 : vector<16xi32> to vector<16xi32>
      %swap3A_145 = vector.shape_cast %add3A_141 : vector<16xi32> to vector<16xi32>
      tpu.vector_store %arg7[%swap3A_142], %swap3A_145 {strides = array<i32>} : memref<51216xi32, #tpu.memory_space<vmem>>, vector<16xi32>,
      %slice3A_146 = vector.extract_strided_slice %sub3A {offsets = [7], sizes = [1], strides = [1]} : vector<16xi32> to vector<1xi32>
      %squeeze3A_147 = vector.extract %slice3A_146[0] : i32 from vector<1xi32>
      %slice3A_148 = vector.extract_strided_slice %select_n3A_50 {offsets = [7], sizes = [1], strides = [1]} : vector<16xi32> to vector<1xi32>
      %squeeze3A_149 = vector.extract %slice3A_148[0] : i32 from vector<1xi32>
      %mul3A_150 = vector.broadcast %squeeze3A_149 : i32 to vector<16xi32>
      %mul3A_151 = arith.muli %select_n3A, %mul3A_150 : vector<16xi32>
      %get3A_152 = arith.index_cast %squeeze3A_147 : i32 to index
      %get3A_153 = tpu.vector_load %arg8[%get3A_152] {strides = array<i32>} : memref<51216xi32, #tpu.memory_space<vmem>>, vector<16xi32>,
      %get3A_154 = vector.shape_cast %get3A_153 : vector<16xi32> to vector<16xi32>
      %add3A_155 = arith.addi %get3A_154, %mul3A_151 : vector<16xi32>
      %swap3A_156 = arith.index_cast %squeeze3A_147 : i32 to index
      %swap3A_157 = tpu.vector_load %arg8[%swap3A_156] {strides = array<i32>} : memref<51216xi32, #tpu.memory_space<vmem>>, vector<16xi32>,
      %swap3A_158 = vector.shape_cast %swap3A_157 : vector<16xi32> to vector<16xi32>
      %swap3A_159 = vector.shape_cast %add3A_155 : vector<16xi32> to vector<16xi32>
      tpu.vector_store %arg8[%swap3A_156], %swap3A_159 {strides = array<i32>} : memref<51216xi32, #tpu.memory_space<vmem>>, vector<16xi32>,
      %slice3A_160 = vector.extract_strided_slice %sub3A {offsets = [8], sizes = [1], strides = [1]} : vector<16xi32> to vector<1xi32>
      %squeeze3A_161 = vector.extract %slice3A_160[0] : i32 from vector<1xi32>
      %slice3A_162 = vector.extract_strided_slice %select_n3A_50 {offsets = [8], sizes = [1], strides = [1]} : vector<16xi32> to vector<1xi32>
      %squeeze3A_163 = vector.extract %slice3A_162[0] : i32 from vector<1xi32>
      %mul3A_164 = vector.broadcast %squeeze3A_163 : i32 to vector<16xi32>
      %mul3A_165 = arith.muli %select_n3A, %mul3A_164 : vector<16xi32>
      %get3A_166 = arith.index_cast %squeeze3A_161 : i32 to index
      %get3A_167 = tpu.vector_load %arg7[%get3A_166] {strides = array<i32>} : memref<51216xi32, #tpu.memory_space<vmem>>, vector<16xi32>,
      %get3A_168 = vector.shape_cast %get3A_167 : vector<16xi32> to vector<16xi32>
      %add3A_169 = arith.addi %get3A_168, %mul3A_165 : vector<16xi32>
      %swap3A_170 = arith.index_cast %squeeze3A_161 : i32 to index
      %swap3A_171 = tpu.vector_load %arg7[%swap3A_170] {strides = array<i32>} : memref<51216xi32, #tpu.memory_space<vmem>>, vector<16xi32>,
      %swap3A_172 = vector.shape_cast %swap3A_171 : vector<16xi32> to vector<16xi32>
      %swap3A_173 = vector.shape_cast %add3A_169 : vector<16xi32> to vector<16xi32>
      tpu.vector_store %arg7[%swap3A_170], %swap3A_173 {strides = array<i32>} : memref<51216xi32, #tpu.memory_space<vmem>>, vector<16xi32>,
      %slice3A_174 = vector.extract_strided_slice %sub3A {offsets = [9], sizes = [1], strides = [1]} : vector<16xi32> to vector<1xi32>
      %squeeze3A_175 = vector.extract %slice3A_174[0] : i32 from vector<1xi32>
      %slice3A_176 = vector.extract_strided_slice %select_n3A_50 {offsets = [9], sizes = [1], strides = [1]} : vector<16xi32> to vector<1xi32>
      %squeeze3A_177 = vector.extract %slice3A_176[0] : i32 from vector<1xi32>
      %mul3A_178 = vector.broadcast %squeeze3A_177 : i32 to vector<16xi32>
      %mul3A_179 = arith.muli %select_n3A, %mul3A_178 : vector<16xi32>
      %get3A_180 = arith.index_cast %squeeze3A_175 : i32 to index
      %get3A_181 = tpu.vector_load %arg8[%get3A_180] {strides = array<i32>} : memref<51216xi32, #tpu.memory_space<vmem>>, vector<16xi32>,
      %get3A_182 = vector.shape_cast %get3A_181 : vector<16xi32> to vector<16xi32>
      %add3A_183 = arith.addi %get3A_182, %mul3A_179 : vector<16xi32>
      %swap3A_184 = arith.index_cast %squeeze3A_175 : i32 to index
      %swap3A_185 = tpu.vector_load %arg8[%swap3A_184] {strides = array<i32>} : memref<51216xi32, #tpu.memory_space<vmem>>, vector<16xi32>,
      %swap3A_186 = vector.shape_cast %swap3A_185 : vector<16xi32> to vector<16xi32>
      %swap3A_187 = vector.shape_cast %add3A_183 : vector<16xi32> to vector<16xi32>
      tpu.vector_store %arg8[%swap3A_184], %swap3A_187 {strides = array<i32>} : memref<51216xi32, #tpu.memory_space<vmem>>, vector<16xi32>,
      %slice3A_188 = vector.extract_strided_slice %sub3A {offsets = [10], sizes = [1], strides = [1]} : vector<16xi32> to vector<1xi32>
      %squeeze3A_189 = vector.extract %slice3A_188[0] : i32 from vector<1xi32>
      %slice3A_190 = vector.extract_strided_slice %select_n3A_50 {offsets = [10], sizes = [1], strides = [1]} : vector<16xi32> to vector<1xi32>
      %squeeze3A_191 = vector.extract %slice3A_190[0] : i32 from vector<1xi32>
      %mul3A_192 = vector.broadcast %squeeze3A_191 : i32 to vector<16xi32>
      %mul3A_193 = arith.muli %select_n3A, %mul3A_192 : vector<16xi32>
      %get3A_194 = arith.index_cast %squeeze3A_189 : i32 to index
      %get3A_195 = tpu.vector_load %arg7[%get3A_194] {strides = array<i32>} : memref<51216xi32, #tpu.memory_space<vmem>>, vector<16xi32>,
      %get3A_196 = vector.shape_cast %get3A_195 : vector<16xi32> to vector<16xi32>
      %add3A_197 = arith.addi %get3A_196, %mul3A_193 : vector<16xi32>
      %swap3A_198 = arith.index_cast %squeeze3A_189 : i32 to index
      %swap3A_199 = tpu.vector_load %arg7[%swap3A_198] {strides = array<i32>} : memref<51216xi32, #tpu.memory_space<vmem>>, vector<16xi32>,
      %swap3A_200 = vector.shape_cast %swap3A_199 : vector<16xi32> to vector<16xi32>
      %swap3A_201 = vector.shape_cast %add3A_197 : vector<16xi32> to vector<16xi32>
      tpu.vector_store %arg7[%swap3A_198], %swap3A_201 {strides = array<i32>} : memref<51216xi32, #tpu.memory_space<vmem>>, vector<16xi32>,
      %slice3A_202 = vector.extract_strided_slice %sub3A {offsets = [11], sizes = [1], strides = [1]} : vector<16xi32> to vector<1xi32>
      %squeeze3A_203 = vector.extract %slice3A_202[0] : i32 from vector<1xi32>
      %slice3A_204 = vector.extract_strided_slice %select_n3A_50 {offsets = [11], sizes = [1], strides = [1]} : vector<16xi32> to vector<1xi32>
      %squeeze3A_205 = vector.extract %slice3A_204[0] : i32 from vector<1xi32>
      %mul3A_206 = vector.broadcast %squeeze3A_205 : i32 to vector<16xi32>
      %mul3A_207 = arith.muli %select_n3A, %mul3A_206 : vector<16xi32>
      %get3A_208 = arith.index_cast %squeeze3A_203 : i32 to index
      %get3A_209 = tpu.vector_load %arg8[%get3A_208] {strides = array<i32>} : memref<51216xi32, #tpu.memory_space<vmem>>, vector<16xi32>,
      %get3A_210 = vector.shape_cast %get3A_209 : vector<16xi32> to vector<16xi32>
      %add3A_211 = arith.addi %get3A_210, %mul3A_207 : vector<16xi32>
      %swap3A_212 = arith.index_cast %squeeze3A_203 : i32 to index
      %swap3A_213 = tpu.vector_load %arg8[%swap3A_212] {strides = array<i32>} : memref<51216xi32, #tpu.memory_space<vmem>>, vector<16xi32>,
      %swap3A_214 = vector.shape_cast %swap3A_213 : vector<16xi32> to vector<16xi32>
      %swap3A_215 = vector.shape_cast %add3A_211 : vector<16xi32> to vector<16xi32>
      tpu.vector_store %arg8[%swap3A_212], %swap3A_215 {strides = array<i32>} : memref<51216xi32, #tpu.memory_space<vmem>>, vector<16xi32>,
      %slice3A_216 = vector.extract_strided_slice %sub3A {offsets = [12], sizes = [1], strides = [1]} : vector<16xi32> to vector<1xi32>
      %squeeze3A_217 = vector.extract %slice3A_216[0] : i32 from vector<1xi32>
      %slice3A_218 = vector.extract_strided_slice %select_n3A_50 {offsets = [12], sizes = [1], strides = [1]} : vector<16xi32> to vector<1xi32>
      %squeeze3A_219 = vector.extract %slice3A_218[0] : i32 from vector<1xi32>
      %mul3A_220 = vector.broadcast %squeeze3A_219 : i32 to vector<16xi32>
      %mul3A_221 = arith.muli %select_n3A, %mul3A_220 : vector<16xi32>
      %get3A_222 = arith.index_cast %squeeze3A_217 : i32 to index
      %get3A_223 = tpu.vector_load %arg7[%get3A_222] {strides = array<i32>} : memref<51216xi32, #tpu.memory_space<vmem>>, vector<16xi32>,
      %get3A_224 = vector.shape_cast %get3A_223 : vector<16xi32> to vector<16xi32>
      %add3A_225 = arith.addi %get3A_224, %mul3A_221 : vector<16xi32>
      %swap3A_226 = arith.index_cast %squeeze3A_217 : i32 to index
      %swap3A_227 = tpu.vector_load %arg7[%swap3A_226] {strides = array<i32>} : memref<51216xi32, #tpu.memory_space<vmem>>, vector<16xi32>,
      %swap3A_228 = vector.shape_cast %swap3A_227 : vector<16xi32> to vector<16xi32>
      %swap3A_229 = vector.shape_cast %add3A_225 : vector<16xi32> to vector<16xi32>
      tpu.vector_store %arg7[%swap3A_226], %swap3A_229 {strides = array<i32>} : memref<51216xi32, #tpu.memory_space<vmem>>, vector<16xi32>,
      %slice3A_230 = vector.extract_strided_slice %sub3A {offsets = [13], sizes = [1], strides = [1]} : vector<16xi32> to vector<1xi32>
      %squeeze3A_231 = vector.extract %slice3A_230[0] : i32 from vector<1xi32>
      %slice3A_232 = vector.extract_strided_slice %select_n3A_50 {offsets = [13], sizes = [1], strides = [1]} : vector<16xi32> to vector<1xi32>
      %squeeze3A_233 = vector.extract %slice3A_232[0] : i32 from vector<1xi32>
      %mul3A_234 = vector.broadcast %squeeze3A_233 : i32 to vector<16xi32>
      %mul3A_235 = arith.muli %select_n3A, %mul3A_234 : vector<16xi32>
      %get3A_236 = arith.index_cast %squeeze3A_231 : i32 to index
      %get3A_237 = tpu.vector_load %arg8[%get3A_236] {strides = array<i32>} : memref<51216xi32, #tpu.memory_space<vmem>>, vector<16xi32>,
      %get3A_238 = vector.shape_cast %get3A_237 : vector<16xi32> to vector<16xi32>
      %add3A_239 = arith.addi %get3A_238, %mul3A_235 : vector<16xi32>
      %swap3A_240 = arith.index_cast %squeeze3A_231 : i32 to index
      %swap3A_241 = tpu.vector_load %arg8[%swap3A_240] {strides = array<i32>} : memref<51216xi32, #tpu.memory_space<vmem>>, vector<16xi32>,
      %swap3A_242 = vector.shape_cast %swap3A_241 : vector<16xi32> to vector<16xi32>
      %swap3A_243 = vector.shape_cast %add3A_239 : vector<16xi32> to vector<16xi32>
      tpu.vector_store %arg8[%swap3A_240], %swap3A_243 {strides = array<i32>} : memref<51216xi32, #tpu.memory_space<vmem>>, vector<16xi32>,
      %slice3A_244 = vector.extract_strided_slice %sub3A {offsets = [14], sizes = [1], strides = [1]} : vector<16xi32> to vector<1xi32>
      %squeeze3A_245 = vector.extract %slice3A_244[0] : i32 from vector<1xi32>
      %slice3A_246 = vector.extract_strided_slice %select_n3A_50 {offsets = [14], sizes = [1], strides = [1]} : vector<16xi32> to vector<1xi32>
      %squeeze3A_247 = vector.extract %slice3A_246[0] : i32 from vector<1xi32>
      %mul3A_248 = vector.broadcast %squeeze3A_247 : i32 to vector<16xi32>
      %mul3A_249 = arith.muli %select_n3A, %mul3A_248 : vector<16xi32>
      %get3A_250 = arith.index_cast %squeeze3A_245 : i32 to index
      %get3A_251 = tpu.vector_load %arg7[%get3A_250] {strides = array<i32>} : memref<51216xi32, #tpu.memory_space<vmem>>, vector<16xi32>,
      %get3A_252 = vector.shape_cast %get3A_251 : vector<16xi32> to vector<16xi32>
      %add3A_253 = arith.addi %get3A_252, %mul3A_249 : vector<16xi32>
      %swap3A_254 = arith.index_cast %squeeze3A_245 : i32 to index
      %swap3A_255 = tpu.vector_load %arg7[%swap3A_254] {strides = array<i32>} : memref<51216xi32, #tpu.memory_space<vmem>>, vector<16xi32>,
      %swap3A_256 = vector.shape_cast %swap3A_255 : vector<16xi32> to vector<16xi32>
      %swap3A_257 = vector.shape_cast %add3A_253 : vector<16xi32> to vector<16xi32>
      tpu.vector_store %arg7[%swap3A_254], %swap3A_257 {strides = array<i32>} : memref<51216xi32, #tpu.memory_space<vmem>>, vector<16xi32>,
      %slice3A_258 = vector.extract_strided_slice %sub3A {offsets = [15], sizes = [1], strides = [1]} : vector<16xi32> to vector<1xi32>
      %squeeze3A_259 = vector.extract %slice3A_258[0] : i32 from vector<1xi32>
      %slice3A_260 = vector.extract_strided_slice %select_n3A_50 {offsets = [15], sizes = [1], strides = [1]} : vector<16xi32> to vector<1xi32>
      %squeeze3A_261 = vector.extract %slice3A_260[0] : i32 from vector<1xi32>
      %mul3A_262 = vector.broadcast %squeeze3A_261 : i32 to vector<16xi32>
      %mul3A_263 = arith.muli %select_n3A, %mul3A_262 : vector<16xi32>
      %get3A_264 = arith.index_cast %squeeze3A_259 : i32 to index
      %get3A_265 = tpu.vector_load %arg8[%get3A_264] {strides = array<i32>} : memref<51216xi32, #tpu.memory_space<vmem>>, vector<16xi32>,
      %get3A_266 = vector.shape_cast %get3A_265 : vector<16xi32> to vector<16xi32>
      %add3A_267 = arith.addi %get3A_266, %mul3A_263 : vector<16xi32>
      %swap3A_268 = arith.index_cast %squeeze3A_259 : i32 to index
      %swap3A_269 = tpu.vector_load %arg8[%swap3A_268] {strides = array<i32>} : memref<51216xi32, #tpu.memory_space<vmem>>, vector<16xi32>,
      %swap3A_270 = vector.shape_cast %swap3A_269 : vector<16xi32> to vector<16xi32>
      %swap3A_271 = vector.shape_cast %add3A_267 : vector<16xi32> to vector<16xi32>
      tpu.vector_store %arg8[%swap3A_268], %swap3A_271 {strides = array<i32>} : memref<51216xi32, #tpu.memory_space<vmem>>, vector<16xi32>,
    }
    %scan3A_17 = arith.constant 640 : i32
    %run_scoped3A = arith.constant 0 : i32
    "tpu.region"() ({
      %run_scoped3A_19 = tpu.sem_alloc : memref<!tpu.dma_semaphore, #tpu.memory_space<semaphore_mem>>
      %dma_start3A = arith.constant 0 : i32
      %dma_start3A_20 = tpu.memref_slice %arg7[%dma_start3A] : memref<51216xi32, #tpu.memory_space<vmem>> -> memref<51200xi32, #tpu.memory_space<vmem>>
      %dma_start3A_21 = arith.constant 0 : i32
      %dma_start3A_22 = tpu.memref_slice %arg4[%add3A, %run_scoped3A, %dma_start3A_21] : memref<32x2x51200xi32, #tpu.memory_space<hbm>> -> memref<1x1x51200xi32, #tpu.memory_space<hbm>>
      %dma_start3A_23 = tpu.memref_squeeze %dma_start3A_22 : memref<1x1x51200xi32, #tpu.memory_space<hbm>> -> memref<51200xi32, #tpu.memory_space<hbm>>
      %dma_start3A_24 = arith.constant 0 : i32
      %dma_start3A_25 = tpu.memref_slice %arg4[%add3A, %run_scoped3A, %dma_start3A_24] : memref<32x2x51200xi32, #tpu.memory_space<hbm>> -> memref<1x1x51200xi32, #tpu.memory_space<hbm>>
      %dma_start3A_26 = tpu.memref_squeeze %dma_start3A_25 : memref<1x1x51200xi32, #tpu.memory_space<hbm>> -> memref<51200xi32, #tpu.memory_space<hbm>>
      %dma_start3A_27 = arith.constant 0 : i32
      %dma_start3A_28 = tpu.memref_slice %arg7[%dma_start3A_27] : memref<51216xi32, #tpu.memory_space<vmem>> -> memref<51200xi32, #tpu.memory_space<vmem>>
      tpu.enqueue_dma source(%dma_start3A_28 : memref<51200xi32, #tpu.memory_space<vmem>>) target(%dma_start3A_26 : memref<51200xi32, #tpu.memory_space<hbm>>) target_semaphore(%run_scoped3A_19 : memref<!tpu.dma_semaphore, #tpu.memory_space<semaphore_mem>>)
      %dma_wait3A = arith.constant 0 : i32
      %dma_wait3A_29 = tpu.memref_slice %arg7[%dma_wait3A] : memref<51216xi32, #tpu.memory_space<vmem>> -> memref<51200xi32, #tpu.memory_space<vmem>>
      %dma_wait3A_30 = arith.constant 0 : i32
      %dma_wait3A_31 = tpu.memref_slice %arg4[%add3A, %run_scoped3A, %dma_wait3A_30] : memref<32x2x51200xi32, #tpu.memory_space<hbm>> -> memref<1x1x51200xi32, #tpu.memory_space<hbm>>
      %dma_wait3A_32 = tpu.memref_squeeze %dma_wait3A_31 : memref<1x1x51200xi32, #tpu.memory_space<hbm>> -> memref<51200xi32, #tpu.memory_space<hbm>>
      %dma_wait3A_33 = arith.constant 0 : i32
      %dma_wait3A_34 = tpu.memref_slice %arg4[%add3A, %run_scoped3A, %dma_wait3A_33] : memref<32x2x51200xi32, #tpu.memory_space<hbm>> -> memref<1x1x51200xi32, #tpu.memory_space<hbm>>
      %dma_wait3A_35 = tpu.memref_squeeze %dma_wait3A_34 : memref<1x1x51200xi32, #tpu.memory_space<hbm>> -> memref<51200xi32, #tpu.memory_space<hbm>>
      %dma_wait3A_36 = arith.constant 0 : i32
      %dma_wait3A_37 = tpu.memref_slice %arg7[%dma_wait3A_36] : memref<51216xi32, #tpu.memory_space<vmem>> -> memref<51200xi32, #tpu.memory_space<vmem>>
      tpu.wait_dma2 semaphore(%run_scoped3A_19 : memref<!tpu.dma_semaphore, #tpu.memory_space<semaphore_mem>>) src(%dma_wait3A_37 : memref<51200xi32, #tpu.memory_space<vmem>>) dst(%dma_wait3A_35 : memref<51200xi32, #tpu.memory_space<hbm>>)
      tpu.yield
    }) : () -> ()
    %run_scoped3A_18 = arith.constant 1 : i32
    "tpu.region"() ({
      %run_scoped3A_19 = tpu.sem_alloc : memref<!tpu.dma_semaphore, #tpu.memory_space<semaphore_mem>>
      %dma_start3A = arith.constant 0 : i32
      %dma_start3A_20 = tpu.memref_slice %arg8[%dma_start3A] : memref<51216xi32, #tpu.memory_space<vmem>> -> memref<51200xi32, #tpu.memory_space<vmem>>
      %dma_start3A_21 = arith.constant 0 : i32
      %dma_start3A_22 = tpu.memref_slice %arg4[%add3A, %run_scoped3A_18, %dma_start3A_21] : memref<32x2x51200xi32, #tpu.memory_space<hbm>> -> memref<1x1x51200xi32, #tpu.memory_space<hbm>>
      %dma_start3A_23 = tpu.memref_squeeze %dma_start3A_22 : memref<1x1x51200xi32, #tpu.memory_space<hbm>> -> memref<51200xi32, #tpu.memory_space<hbm>>
      %dma_start3A_24 = arith.constant 0 : i32
      %dma_start3A_25 = tpu.memref_slice %arg4[%add3A, %run_scoped3A_18, %dma_start3A_24] : memref<32x2x51200xi32, #tpu.memory_space<hbm>> -> memref<1x1x51200xi32, #tpu.memory_space<hbm>>
      %dma_start3A_26 = tpu.memref_squeeze %dma_start3A_25 : memref<1x1x51200xi32, #tpu.memory_space<hbm>> -> memref<51200xi32, #tpu.memory_space<hbm>>
      %dma_start3A_27 = arith.constant 0 : i32
      %dma_start3A_28 = tpu.memref_slice %arg8[%dma_start3A_27] : memref<51216xi32, #tpu.memory_space<vmem>> -> memref<51200xi32, #tpu.memory_space<vmem>>
      tpu.enqueue_dma source(%dma_start3A_28 : memref<51200xi32, #tpu.memory_space<vmem>>) target(%dma_start3A_26 : memref<51200xi32, #tpu.memory_space<hbm>>) target_semaphore(%run_scoped3A_19 : memref<!tpu.dma_semaphore, #tpu.memory_space<semaphore_mem>>)
      %dma_wait3A = arith.constant 0 : i32
      %dma_wait3A_29 = tpu.memref_slice %arg8[%dma_wait3A] : memref<51216xi32, #tpu.memory_space<vmem>> -> memref<51200xi32, #tpu.memory_space<vmem>>
      %dma_wait3A_30 = arith.constant 0 : i32
      %dma_wait3A_31 = tpu.memref_slice %arg4[%add3A, %run_scoped3A_18, %dma_wait3A_30] : memref<32x2x51200xi32, #tpu.memory_space<hbm>> -> memref<1x1x51200xi32, #tpu.memory_space<hbm>>
      %dma_wait3A_32 = tpu.memref_squeeze %dma_wait3A_31 : memref<1x1x51200xi32, #tpu.memory_space<hbm>> -> memref<51200xi32, #tpu.memory_space<hbm>>
      %dma_wait3A_33 = arith.constant 0 : i32
      %dma_wait3A_34 = tpu.memref_slice %arg4[%add3A, %run_scoped3A_18, %dma_wait3A_33] : memref<32x2x51200xi32, #tpu.memory_space<hbm>> -> memref<1x1x51200xi32, #tpu.memory_space<hbm>>
      %dma_wait3A_35 = tpu.memref_squeeze %dma_wait3A_34 : memref<1x1x51200xi32, #tpu.memory_space<hbm>> -> memref<51200xi32, #tpu.memory_space<hbm>>
      %dma_wait3A_36 = arith.constant 0 : i32
      %dma_wait3A_37 = tpu.memref_slice %arg8[%dma_wait3A_36] : memref<51216xi32, #tpu.memory_space<vmem>> -> memref<51200xi32, #tpu.memory_space<vmem>>
      tpu.wait_dma2 semaphore(%run_scoped3A_19 : memref<!tpu.dma_semaphore, #tpu.memory_space<semaphore_mem>>) src(%dma_wait3A_37 : memref<51200xi32, #tpu.memory_space<vmem>>) dst(%dma_wait3A_35 : memref<51200xi32, #tpu.memory_space<hbm>>)
      tpu.yield
    }) : () -> ()
    return
  }
}

module attributes {stable_mosaic.version = 14 : i64} {
  func.func @_pool_body(%arg0: i32, %arg1: memref<1x320x128xf32, #tpu.memory_space<vmem>>, %arg2: memref<1x2x320x160xi32, #tpu.memory_space<vmem>>, %arg3: memref<8x128xf32, #tpu.memory_space<vmem>>, %arg4: memref<8x128xf32, #tpu.memory_space<vmem>>, %arg5: memref<256x128xf32, #tpu.memory_space<vmem>>, %arg6: memref<1x320x128xf32, #tpu.memory_space<vmem>>, %arg7: memref<8x128xf32, #tpu.memory_space<vmem>>) attributes {dimension_semantics = [#tpu.dimension_semantics<arbitrary>], iteration_bounds = array<i64: 32>, scalar_prefetch = 0 : i64, scratch_operands = 0 : i64, tpu.core_type = #tpu.core_type<tc>, window_params = [{transform_indices = @transform_0, window_bounds = array<i64: 1, 320, 128>}, {transform_indices = @transform_1, window_bounds = array<i64: 1, 2, 320, 160>}, {pipeline_mode = #tpu.pipeline_mode<synchronous>, transform_indices = @transform_2, window_bounds = array<i64: 8, 128>}, {pipeline_mode = #tpu.pipeline_mode<synchronous>, transform_indices = @transform_3, window_bounds = array<i64: 8, 128>}, {pipeline_mode = #tpu.pipeline_mode<synchronous>, transform_indices = @transform_4, window_bounds = array<i64: 256, 128>}, {transform_indices = @transform_5, window_bounds = array<i64: 1, 320, 128>}, {pipeline_mode = #tpu.pipeline_mode<synchronous>, transform_indices = @transform_6, window_bounds = array<i64: 8, 128>}]} {
    %get3A = arith.constant 0 : index
    %get3A_0 = arith.constant 0 : index
    %get3A_1 = arith.constant 0 : index
    %get3A_2 = vector.load %arg1[%get3A, %get3A_0, %get3A_1] : memref<1x320x128xf32, #tpu.memory_space<vmem>>, vector<1x320x128xf32>
    %get3A_3 = vector.shape_cast %get3A_2 : vector<1x320x128xf32> to vector<320x128xf32>
    %get3A_4 = arith.constant 0 : index
    %get3A_5 = arith.constant 0 : index
    %get3A_6 = arith.constant 0 : index
    %get3A_7 = arith.constant 0 : index
    %get3A_8 = vector.load %arg2[%get3A_4, %get3A_5, %get3A_6, %get3A_7] : memref<1x2x320x160xi32, #tpu.memory_space<vmem>>, vector<1x2x320x160xi32>
    %get3A_9 = vector.shape_cast %get3A_8 : vector<1x2x320x160xi32> to vector<2x320x160xi32>
    %slice3A = vector.extract_strided_slice %get3A_9 {offsets = [0, 0, 0], sizes = [1, 320, 160], strides = [1, 1, 1]} : vector<2x320x160xi32> to vector<1x320x160xi32>
    %squeeze3A = vector.shape_cast %slice3A : vector<1x320x160xi32> to vector<320x160xi32>
    %slice3A_10 = vector.extract_strided_slice %get3A_9 {offsets = [1, 0, 0], sizes = [1, 320, 160], strides = [1, 1, 1]} : vector<2x320x160xi32> to vector<1x320x160xi32>
    %squeeze3A_11 = vector.shape_cast %slice3A_10 : vector<1x320x160xi32> to vector<320x160xi32>
    %add3A = arith.addi %squeeze3A, %squeeze3A_11 : vector<320x160xi32>
    %and3A = arith.constant 65535 : i32
    %and3A_12 = vector.broadcast %and3A : i32 to vector<320x160xi32>
    %and3A_13 = arith.andi %add3A, %and3A_12 : vector<320x160xi32>
    %convert_element_type3A = arith.sitofp %and3A_13 : vector<320x160xi32> to vector<320x160xf32>
    %shift_right_arithmetic3A = arith.constant 16 : i32
    %shift_right_arithmetic3A_14 = vector.broadcast %shift_right_arithmetic3A : i32 to vector<320x160xi32>
    %shift_right_arithmetic3A_15 = arith.shrsi %add3A, %shift_right_arithmetic3A_14 : vector<320x160xi32>
    %convert_element_type3A_16 = arith.sitofp %shift_right_arithmetic3A_15 : vector<320x160xi32> to vector<320x160xf32>
    %get3A_17 = arith.constant 0 : index
    %get3A_18 = arith.constant 0 : index
    %get3A_19 = vector.load %arg3[%get3A_17, %get3A_18] : memref<8x128xf32, #tpu.memory_space<vmem>>, vector<1x128xf32>
    %mul3A = arith.constant 3.05175786E-6 : f32
    %mul3A_20 = vector.broadcast %mul3A : f32 to vector<1x128xf32>
    %mul3A_21 = arith.mulf %get3A_19, %mul3A_20 : vector<1x128xf32>
    %get3A_22 = arith.constant 1 : index
    %get3A_23 = arith.constant 0 : index
    %get3A_24 = vector.load %arg3[%get3A_22, %get3A_23] : memref<8x128xf32, #tpu.memory_space<vmem>>, vector<1x128xf32>
    %mul3A_25 = arith.constant 3.05175786E-6 : f32
    %mul3A_26 = vector.broadcast %mul3A_25 : f32 to vector<1x128xf32>
    %mul3A_27 = arith.mulf %get3A_24, %mul3A_26 : vector<1x128xf32>
    %mul3A_28 = arith.mulf %mul3A_21, %mul3A_21 : vector<1x128xf32>
    %sub3A = arith.subf %mul3A_27, %mul3A_28 : vector<1x128xf32>
    %get3A_29 = arith.constant 2 : index
    %get3A_30 = arith.constant 0 : index
    %get3A_31 = vector.load %arg3[%get3A_29, %get3A_30] : memref<8x128xf32, #tpu.memory_space<vmem>>, vector<1x128xf32>
    %mul3A_32 = arith.constant 3.05175786E-6 : f32
    %mul3A_33 = vector.broadcast %mul3A_32 : f32 to vector<1x128xf32>
    %mul3A_34 = arith.mulf %get3A_31, %mul3A_33 : vector<1x128xf32>
    %get3A_35 = arith.constant 3 : index
    %get3A_36 = arith.constant 0 : index
    %get3A_37 = vector.load %arg3[%get3A_35, %get3A_36] : memref<8x128xf32, #tpu.memory_space<vmem>>, vector<1x128xf32>
    %mul3A_38 = arith.constant 3.05175786E-6 : f32
    %mul3A_39 = vector.broadcast %mul3A_38 : f32 to vector<1x128xf32>
    %mul3A_40 = arith.mulf %get3A_37, %mul3A_39 : vector<1x128xf32>
    %mul3A_41 = arith.mulf %mul3A_34, %mul3A_34 : vector<1x128xf32>
    %sub3A_42 = arith.subf %mul3A_40, %mul3A_41 : vector<1x128xf32>
    %get3A_43 = arith.constant 0 : index
    %get3A_44 = arith.constant 0 : index
    %get3A_45 = vector.load %arg4[%get3A_43, %get3A_44] : memref<8x128xf32, #tpu.memory_space<vmem>>, vector<1x128xf32>
    %add3A_46 = arith.constant 9.99999974E-6 : f32
    %add3A_47 = vector.broadcast %add3A_46 : f32 to vector<1x128xf32>
    %add3A_48 = arith.addf %sub3A, %add3A_47 : vector<1x128xf32>
    %rsqrt3A = math.rsqrt %add3A_48 : vector<1x128xf32>
    %mul3A_49 = arith.mulf %get3A_45, %rsqrt3A : vector<1x128xf32>
    %get3A_50 = arith.constant 1 : index
    %get3A_51 = arith.constant 0 : index
    %get3A_52 = vector.load %arg4[%get3A_50, %get3A_51] : memref<8x128xf32, #tpu.memory_space<vmem>>, vector<1x128xf32>
    %add3A_53 = arith.constant 9.99999974E-6 : f32
    %add3A_54 = vector.broadcast %add3A_53 : f32 to vector<1x128xf32>
    %add3A_55 = arith.addf %sub3A_42, %add3A_54 : vector<1x128xf32>
    %rsqrt3A_56 = math.rsqrt %add3A_55 : vector<1x128xf32>
    %mul3A_57 = arith.mulf %get3A_52, %rsqrt3A_56 : vector<1x128xf32>
    %get3A_58 = arith.constant 2 : index
    %get3A_59 = arith.constant 0 : index
    %get3A_60 = vector.load %arg4[%get3A_58, %get3A_59] : memref<8x128xf32, #tpu.memory_space<vmem>>, vector<1x128xf32>
    %mul3A_61 = arith.mulf %mul3A_21, %mul3A_49 : vector<1x128xf32>
    %sub3A_62 = arith.subf %get3A_60, %mul3A_61 : vector<1x128xf32>
    %get3A_63 = arith.constant 3 : index
    %get3A_64 = arith.constant 0 : index
    %get3A_65 = vector.load %arg4[%get3A_63, %get3A_64] : memref<8x128xf32, #tpu.memory_space<vmem>>, vector<1x128xf32>
    %mul3A_66 = arith.mulf %mul3A_34, %mul3A_57 : vector<1x128xf32>
    %sub3A_67 = arith.subf %get3A_65, %mul3A_66 : vector<1x128xf32>
    %get3A_68 = arith.constant 4 : index
    %get3A_69 = arith.constant 0 : index
    %get3A_70 = vector.load %arg4[%get3A_68, %get3A_69] : memref<8x128xf32, #tpu.memory_space<vmem>>, vector<1x128xf32>
    %mul3A_71 = vector.broadcast %mul3A_49 : vector<1x128xf32> to vector<320x128xf32>
    %mul3A_72 = arith.mulf %get3A_3, %mul3A_71 : vector<320x128xf32>
    %add3A_73 = vector.broadcast %sub3A_62 : vector<1x128xf32> to vector<320x128xf32>
    %add3A_74 = arith.addf %mul3A_72, %add3A_73 : vector<320x128xf32>
    %max3A = arith.constant 0.000000e+00 : f32
    %max3A_75 = vector.broadcast %max3A : f32 to vector<320x128xf32>
    %max3A_76 = arith.maximumf %add3A_74, %max3A_75 : vector<320x128xf32>
    %convert_element_type3A_77 = arith.truncf %max3A_76 : vector<320x128xf32> to vector<320x128xbf16>
    %mul3A_78 = vector.broadcast %mul3A_57 : vector<1x128xf32> to vector<320x128xf32>
    %mul3A_79 = arith.mulf %get3A_3, %mul3A_78 : vector<320x128xf32>
    %add3A_80 = vector.broadcast %sub3A_67 : vector<1x128xf32> to vector<320x128xf32>
    %add3A_81 = arith.addf %mul3A_79, %add3A_80 : vector<320x128xf32>
    %max3A_82 = arith.constant 0.000000e+00 : f32
    %max3A_83 = vector.broadcast %max3A_82 : f32 to vector<320x128xf32>
    %max3A_84 = arith.maximumf %add3A_81, %max3A_83 : vector<320x128xf32>
    %convert_element_type3A_85 = arith.truncf %max3A_84 : vector<320x128xf32> to vector<320x128xbf16>
    %get3A_86 = arith.constant 0 : index
    %get3A_87 = arith.constant 0 : index
    %get3A_88 = vector.load %arg5[%get3A_86, %get3A_87] : memref<256x128xf32, #tpu.memory_space<vmem>>, vector<256x128xf32>
    %convert_element_type3A_89 = arith.truncf %get3A_88 : vector<256x128xf32> to vector<256x128xbf16>
    %slice3A_90 = vector.extract_strided_slice %convert_element_type3A_89 {offsets = [0, 0], sizes = [128, 128], strides = [1, 1]} : vector<256x128xbf16> to vector<128x128xbf16>
    %dot_general3A = arith.constant dense<0.000000e+00> : vector<320x128xf32>
    %dot_general3A_91 = tpu.matmul %convert_element_type3A_77, %slice3A_90, %dot_general3A {dimension_numbers = #tpu.dot_dimension_numbers<[1], [0], [0], [1], [0, 0, 1, 1], [], []>, transpose_lhs_hint = false} : vector<320x128xbf16>, vector<128x128xbf16>, vector<320x128xf32> -> vector<320x128xf32>
    %slice3A_92 = vector.extract_strided_slice %convert_element_type3A_89 {offsets = [128, 0], sizes = [128, 128], strides = [1, 1]} : vector<256x128xbf16> to vector<128x128xbf16>
    %dot_general3A_93 = arith.constant dense<0.000000e+00> : vector<320x128xf32>
    %dot_general3A_94 = tpu.matmul %convert_element_type3A_85, %slice3A_92, %dot_general3A_93 {dimension_numbers = #tpu.dot_dimension_numbers<[1], [0], [0], [1], [0, 0, 1, 1], [], []>, transpose_lhs_hint = false} : vector<320x128xbf16>, vector<128x128xbf16>, vector<320x128xf32> -> vector<320x128xf32>
    %reduce_sum3A = arith.constant dense<0.000000e+00> : vector<320xf32>
    %reduce_sum3A_95 = vector.multi_reduction <add>, %convert_element_type3A, %reduce_sum3A [1] : vector<320x160xf32> to vector<320xf32>
    %broadcast_in_dim3A = vector.shape_cast %reduce_sum3A_95 : vector<320xf32> to vector<320x1xf32>
    %reduce_sum3A_96 = arith.constant dense<0.000000e+00> : vector<320xf32>
    %reduce_sum3A_97 = vector.multi_reduction <add>, %convert_element_type3A_16, %reduce_sum3A_96 [1] : vector<320x160xf32> to vector<320xf32>
    %broadcast_in_dim3A_98 = vector.shape_cast %reduce_sum3A_97 : vector<320xf32> to vector<320x1xf32>
    %add3A_99 = arith.addf %broadcast_in_dim3A, %broadcast_in_dim3A_98 : vector<320x1xf32>
    %convert_element_type3A_100 = arith.truncf %dot_general3A_94 : vector<320x128xf32> to vector<320x128xbf16>
    %convert_element_type3A_101 = arith.truncf %convert_element_type3A : vector<320x160xf32> to vector<320x160xbf16>
    %slice3A_102 = vector.extract_strided_slice %convert_element_type3A_100 {offsets = [0, 0], sizes = [160, 128], strides = [1, 1]} : vector<320x128xbf16> to vector<160x128xbf16>
    %dot_general3A_103 = arith.constant dense<0.000000e+00> : vector<320x128xf32>
    %dot_general3A_104 = tpu.matmul %convert_element_type3A_101, %slice3A_102, %dot_general3A_103 {dimension_numbers = #tpu.dot_dimension_numbers<[1], [0], [0], [1], [0, 0, 1, 1], [], []>, transpose_lhs_hint = false} : vector<320x160xbf16>, vector<160x128xbf16>, vector<320x128xf32> -> vector<320x128xf32>
    %convert_element_type3A_105 = arith.truncf %convert_element_type3A_16 : vector<320x160xf32> to vector<320x160xbf16>
    %slice3A_106 = vector.extract_strided_slice %convert_element_type3A_100 {offsets = [160, 0], sizes = [160, 128], strides = [1, 1]} : vector<320x128xbf16> to vector<160x128xbf16>
    %dot_general3A_107 = arith.constant dense<0.000000e+00> : vector<320x128xf32>
    %dot_general3A_108 = tpu.matmul %convert_element_type3A_105, %slice3A_106, %dot_general3A_107 {dimension_numbers = #tpu.dot_dimension_numbers<[1], [0], [0], [1], [0, 0, 1, 1], [], []>, transpose_lhs_hint = false} : vector<320x160xbf16>, vector<160x128xbf16>, vector<320x128xf32> -> vector<320x128xf32>
    %add3A_109 = arith.addf %dot_general3A_104, %dot_general3A_108 : vector<320x128xf32>
    %add3A_110 = vector.broadcast %get3A_70 : vector<1x128xf32> to vector<320x128xf32>
    %add3A_111 = arith.addf %dot_general3A_91, %add3A_110 : vector<320x128xf32>
    %mul3A_112 = vector.broadcast %add3A_99 : vector<320x1xf32> to vector<320x128xf32>
    %mul3A_113 = arith.mulf %mul3A_112, %add3A_111 : vector<320x128xf32>
    %add3A_114 = arith.addf %mul3A_113, %add3A_109 : vector<320x128xf32>
    %max3A_115 = arith.constant 1.000000e+00 : f32
    %max3A_116 = vector.broadcast %max3A_115 : f32 to vector<320x1xf32>
    %max3A_117 = arith.maximumf %add3A_99, %max3A_116 : vector<320x1xf32>
    %div3A = vector.broadcast %max3A_117 : vector<320x1xf32> to vector<320x128xf32>
    %div3A_118 = arith.divf %add3A_114, %div3A : vector<320x128xf32>
    %swap3A = arith.constant 0 : index
    %swap3A_119 = arith.constant 0 : index
    %swap3A_120 = arith.constant 0 : index
    %swap3A_121 = vector.load %arg6[%swap3A, %swap3A_119, %swap3A_120] : memref<1x320x128xf32, #tpu.memory_space<vmem>>, vector<1x320x128xf32>
    %swap3A_122 = vector.shape_cast %swap3A_121 : vector<1x320x128xf32> to vector<320x128xf32>
    %swap3A_123 = vector.shape_cast %div3A_118 : vector<320x128xf32> to vector<1x320x128xf32>
    tpu.vector_store %arg6[%swap3A, %swap3A_119, %swap3A_120], %swap3A_123 {strides = array<i32>} : memref<1x320x128xf32, #tpu.memory_space<vmem>>, vector<1x320x128xf32>,
    %reduce_sum3A_124 = arith.constant dense<0.000000e+00> : vector<128xf32>
    %reduce_sum3A_125 = vector.multi_reduction <add>, %div3A_118, %reduce_sum3A_124 [0] : vector<320x128xf32> to vector<128xf32>
    %broadcast_in_dim3A_126 = vector.shape_cast %reduce_sum3A_125 : vector<128xf32> to vector<1x128xf32>
    %mul3A_127 = arith.mulf %div3A_118, %div3A_118 : vector<320x128xf32>
    %reduce_sum3A_128 = arith.constant dense<0.000000e+00> : vector<128xf32>
    %reduce_sum3A_129 = vector.multi_reduction <add>, %mul3A_127, %reduce_sum3A_128 [0] : vector<320x128xf32> to vector<128xf32>
    %broadcast_in_dim3A_130 = vector.shape_cast %reduce_sum3A_129 : vector<128xf32> to vector<1x128xf32>
    %broadcast_in_dim3A_131 = arith.constant 0.000000e+00 : f32
    %broadcast_in_dim3A_132 = vector.broadcast %broadcast_in_dim3A_131 : f32 to vector<6x128xf32>
    %concatenate3A = tpu.concatenate %broadcast_in_dim3A_126, %broadcast_in_dim3A_130, %broadcast_in_dim3A_132 in 0 : vector<1x128xf32>, vector<1x128xf32>, vector<6x128xf32> -> vector<8x128xf32>
    %eq3A = arith.constant 0 : i32
    %eq3A_133 = arith.cmpi eq, %arg0, %eq3A : i32
    %convert_element_type3A_134 = arith.extui %eq3A_133 : i1 to i32
    %cond3A = arith.constant 0 : i32
    %cond3A_135 = arith.cmpi ne, %convert_element_type3A_134, %cond3A : i32
    scf.if %cond3A_135 {
      %swap3A_140 = arith.constant 0 : index
      %swap3A_141 = arith.constant 0 : index
      %swap3A_142 = vector.load %arg7[%swap3A_140, %swap3A_141] : memref<8x128xf32, #tpu.memory_space<vmem>>, vector<8x128xf32>
      tpu.vector_store %arg7[%swap3A_140, %swap3A_141], %concatenate3A {strides = array<i32>} : memref<8x128xf32, #tpu.memory_space<vmem>>, vector<8x128xf32>,
    } else {
    }
    %gt3A = arith.constant 0 : i32
    %gt3A_136 = arith.cmpi sgt, %arg0, %gt3A : i32
    %convert_element_type3A_137 = arith.extui %gt3A_136 : i1 to i32
    %cond3A_138 = arith.constant 0 : i32
    %cond3A_139 = arith.cmpi ne, %convert_element_type3A_137, %cond3A_138 : i32
    scf.if %cond3A_139 {
      %get3A_140 = arith.constant 0 : index
      %get3A_141 = arith.constant 0 : index
      %get3A_142 = vector.load %arg7[%get3A_140, %get3A_141] : memref<8x128xf32, #tpu.memory_space<vmem>>, vector<8x128xf32>
      %add3A_143 = arith.addf %get3A_142, %concatenate3A : vector<8x128xf32>
      %swap3A_144 = arith.constant 0 : index
      %swap3A_145 = arith.constant 0 : index
      %swap3A_146 = vector.load %arg7[%swap3A_144, %swap3A_145] : memref<8x128xf32, #tpu.memory_space<vmem>>, vector<8x128xf32>
      tpu.vector_store %arg7[%swap3A_144, %swap3A_145], %add3A_143 {strides = array<i32>} : memref<8x128xf32, #tpu.memory_space<vmem>>, vector<8x128xf32>,
    } else {
    }
    return
  }
  func.func @transform_0(%arg0: i32) -> (i32, i32, i32) {
    %c0_i32 = arith.constant 0 : i32
    %c0_i32_0 = arith.constant 0 : i32
    %c0_i32_1 = arith.constant 0 : i32
    return %arg0, %c0_i32, %c0_i32_0 : i32, i32, i32
  }
  func.func @transform_1(%arg0: i32) -> (i32, i32, i32, i32) {
    %c0_i32 = arith.constant 0 : i32
    %c0_i32_0 = arith.constant 0 : i32
    %c0_i32_1 = arith.constant 0 : i32
    %c0_i32_2 = arith.constant 0 : i32
    return %arg0, %c0_i32, %c0_i32_0, %c0_i32_1 : i32, i32, i32, i32
  }
  func.func @transform_2(%arg0: i32) -> (i32, i32) {
    %c0_i32 = arith.constant 0 : i32
    %c0_i32_0 = arith.constant 0 : i32
    %c0_i32_1 = arith.constant 0 : i32
    return %c0_i32, %c0_i32_0 : i32, i32
  }
  func.func @transform_3(%arg0: i32) -> (i32, i32) {
    %c0_i32 = arith.constant 0 : i32
    %c0_i32_0 = arith.constant 0 : i32
    %c0_i32_1 = arith.constant 0 : i32
    return %c0_i32, %c0_i32_0 : i32, i32
  }
  func.func @transform_4(%arg0: i32) -> (i32, i32) {
    %c0_i32 = arith.constant 0 : i32
    %c0_i32_0 = arith.constant 0 : i32
    %c0_i32_1 = arith.constant 0 : i32
    return %c0_i32, %c0_i32_0 : i32, i32
  }
  func.func @transform_5(%arg0: i32) -> (i32, i32, i32) {
    %c0_i32 = arith.constant 0 : i32
    %c0_i32_0 = arith.constant 0 : i32
    %c0_i32_1 = arith.constant 0 : i32
    return %arg0, %c0_i32, %c0_i32_0 : i32, i32, i32
  }
  func.func @transform_6(%arg0: i32) -> (i32, i32) {
    %c0_i32 = arith.constant 0 : i32
    %c0_i32_0 = arith.constant 0 : i32
    %c0_i32_1 = arith.constant 0 : i32
    return %c0_i32, %c0_i32_0 : i32, i32
  }
}

module attributes {stable_mosaic.version = 14 : i64} {
  func.func @_stats1_body(%arg0: i32, %arg1: memref<1x320x128xf32, #tpu.memory_space<vmem>>, %arg2: memref<1x2x320x160xi32, #tpu.memory_space<vmem>>, %arg3: memref<8x128xf32, #tpu.memory_space<vmem>>) attributes {dimension_semantics = [#tpu.dimension_semantics<arbitrary>], iteration_bounds = array<i64: 32>, scalar_prefetch = 0 : i64, scratch_operands = 0 : i64, tpu.core_type = #tpu.core_type<tc>, window_params = [{transform_indices = @transform_0, window_bounds = array<i64: 1, 320, 128>}, {transform_indices = @transform_1, window_bounds = array<i64: 1, 2, 320, 160>}, {pipeline_mode = #tpu.pipeline_mode<synchronous>, transform_indices = @transform_2, window_bounds = array<i64: 8, 128>}]} {
    %get3A = arith.constant 0 : index
    %get3A_0 = arith.constant 0 : index
    %get3A_1 = arith.constant 0 : index
    %get3A_2 = vector.load %arg1[%get3A, %get3A_0, %get3A_1] : memref<1x320x128xf32, #tpu.memory_space<vmem>>, vector<1x320x128xf32>
    %get3A_3 = vector.shape_cast %get3A_2 : vector<1x320x128xf32> to vector<320x128xf32>
    %get3A_4 = arith.constant 0 : index
    %get3A_5 = arith.constant 0 : index
    %get3A_6 = arith.constant 0 : index
    %get3A_7 = arith.constant 0 : index
    %get3A_8 = vector.load %arg2[%get3A_4, %get3A_5, %get3A_6, %get3A_7] : memref<1x2x320x160xi32, #tpu.memory_space<vmem>>, vector<1x2x320x160xi32>
    %get3A_9 = vector.shape_cast %get3A_8 : vector<1x2x320x160xi32> to vector<2x320x160xi32>
    %slice3A = vector.extract_strided_slice %get3A_9 {offsets = [0, 0, 0], sizes = [1, 320, 160], strides = [1, 1, 1]} : vector<2x320x160xi32> to vector<1x320x160xi32>
    %squeeze3A = vector.shape_cast %slice3A : vector<1x320x160xi32> to vector<320x160xi32>
    %slice3A_10 = vector.extract_strided_slice %get3A_9 {offsets = [1, 0, 0], sizes = [1, 320, 160], strides = [1, 1, 1]} : vector<2x320x160xi32> to vector<1x320x160xi32>
    %squeeze3A_11 = vector.shape_cast %slice3A_10 : vector<1x320x160xi32> to vector<320x160xi32>
    %add3A = arith.addi %squeeze3A, %squeeze3A_11 : vector<320x160xi32>
    %and3A = arith.constant 65535 : i32
    %and3A_12 = vector.broadcast %and3A : i32 to vector<320x160xi32>
    %and3A_13 = arith.andi %add3A, %and3A_12 : vector<320x160xi32>
    %convert_element_type3A = arith.sitofp %and3A_13 : vector<320x160xi32> to vector<320x160xf32>
    %shift_right_arithmetic3A = arith.constant 16 : i32
    %shift_right_arithmetic3A_14 = vector.broadcast %shift_right_arithmetic3A : i32 to vector<320x160xi32>
    %shift_right_arithmetic3A_15 = arith.shrsi %add3A, %shift_right_arithmetic3A_14 : vector<320x160xi32>
    %convert_element_type3A_16 = arith.sitofp %shift_right_arithmetic3A_15 : vector<320x160xi32> to vector<320x160xf32>
    %mul3A = arith.mulf %get3A_3, %get3A_3 : vector<320x128xf32>
    %reduce_sum3A = arith.constant dense<0.000000e+00> : vector<320xf32>
    %reduce_sum3A_17 = vector.multi_reduction <add>, %convert_element_type3A, %reduce_sum3A [1] : vector<320x160xf32> to vector<320xf32>
    %broadcast_in_dim3A = vector.shape_cast %reduce_sum3A_17 : vector<320xf32> to vector<320x1xf32>
    %reduce_sum3A_18 = arith.constant dense<0.000000e+00> : vector<320xf32>
    %reduce_sum3A_19 = vector.multi_reduction <add>, %convert_element_type3A_16, %reduce_sum3A_18 [1] : vector<320x160xf32> to vector<320xf32>
    %broadcast_in_dim3A_20 = vector.shape_cast %reduce_sum3A_19 : vector<320xf32> to vector<320x1xf32>
    %add3A_21 = arith.addf %broadcast_in_dim3A, %broadcast_in_dim3A_20 : vector<320x1xf32>
    %mul3A_22 = vector.broadcast %add3A_21 : vector<320x1xf32> to vector<320x128xf32>
    %mul3A_23 = arith.mulf %mul3A_22, %get3A_3 : vector<320x128xf32>
    %reduce_sum3A_24 = arith.constant dense<0.000000e+00> : vector<128xf32>
    %reduce_sum3A_25 = vector.multi_reduction <add>, %mul3A_23, %reduce_sum3A_24 [0] : vector<320x128xf32> to vector<128xf32>
    %broadcast_in_dim3A_26 = vector.shape_cast %reduce_sum3A_25 : vector<128xf32> to vector<1x128xf32>
    %mul3A_27 = vector.broadcast %add3A_21 : vector<320x1xf32> to vector<320x128xf32>
    %mul3A_28 = arith.mulf %mul3A_27, %mul3A : vector<320x128xf32>
    %reduce_sum3A_29 = arith.constant dense<0.000000e+00> : vector<128xf32>
    %reduce_sum3A_30 = vector.multi_reduction <add>, %mul3A_28, %reduce_sum3A_29 [0] : vector<320x128xf32> to vector<128xf32>
    %broadcast_in_dim3A_31 = vector.shape_cast %reduce_sum3A_30 : vector<128xf32> to vector<1x128xf32>
    %reduce_sum3A_32 = arith.constant dense<0.000000e+00> : vector<160xf32>
    %reduce_sum3A_33 = vector.multi_reduction <add>, %convert_element_type3A, %reduce_sum3A_32 [0] : vector<320x160xf32> to vector<160xf32>
    %broadcast_in_dim3A_34 = vector.shape_cast %reduce_sum3A_33 : vector<160xf32> to vector<1x160xf32>
    %reduce_sum3A_35 = arith.constant dense<0.000000e+00> : vector<160xf32>
    %reduce_sum3A_36 = vector.multi_reduction <add>, %convert_element_type3A_16, %reduce_sum3A_35 [0] : vector<320x160xf32> to vector<160xf32>
    %broadcast_in_dim3A_37 = vector.shape_cast %reduce_sum3A_36 : vector<160xf32> to vector<1x160xf32>
    %slice3A_38 = vector.extract_strided_slice %get3A_3 {offsets = [0, 0], sizes = [160, 128], strides = [1, 1]} : vector<320x128xf32> to vector<160x128xf32>
    %dot_general3A = arith.constant dense<0.000000e+00> : vector<1x128xf32>
    %dot_general3A_39 = tpu.matmul %broadcast_in_dim3A_34, %slice3A_38, %dot_general3A {dimension_numbers = #tpu.dot_dimension_numbers<[1], [0], [0], [1], [0, 0, 1, 1], [], []>, transpose_lhs_hint = false} : vector<1x160xf32>, vector<160x128xf32>, vector<1x128xf32> -> vector<1x128xf32>
    %slice3A_40 = vector.extract_strided_slice %get3A_3 {offsets = [160, 0], sizes = [160, 128], strides = [1, 1]} : vector<320x128xf32> to vector<160x128xf32>
    %dot_general3A_41 = arith.constant dense<0.000000e+00> : vector<1x128xf32>
    %dot_general3A_42 = tpu.matmul %broadcast_in_dim3A_37, %slice3A_40, %dot_general3A_41 {dimension_numbers = #tpu.dot_dimension_numbers<[1], [0], [0], [1], [0, 0, 1, 1], [], []>, transpose_lhs_hint = false} : vector<1x160xf32>, vector<160x128xf32>, vector<1x128xf32> -> vector<1x128xf32>
    %add3A_43 = arith.addf %dot_general3A_39, %dot_general3A_42 : vector<1x128xf32>
    %slice3A_44 = vector.extract_strided_slice %mul3A {offsets = [0, 0], sizes = [160, 128], strides = [1, 1]} : vector<320x128xf32> to vector<160x128xf32>
    %dot_general3A_45 = arith.constant dense<0.000000e+00> : vector<1x128xf32>
    %dot_general3A_46 = tpu.matmul %broadcast_in_dim3A_34, %slice3A_44, %dot_general3A_45 {dimension_numbers = #tpu.dot_dimension_numbers<[1], [0], [0], [1], [0, 0, 1, 1], [], []>, transpose_lhs_hint = false} : vector<1x160xf32>, vector<160x128xf32>, vector<1x128xf32> -> vector<1x128xf32>
    %slice3A_47 = vector.extract_strided_slice %mul3A {offsets = [160, 0], sizes = [160, 128], strides = [1, 1]} : vector<320x128xf32> to vector<160x128xf32>
    %dot_general3A_48 = arith.constant dense<0.000000e+00> : vector<1x128xf32>
    %dot_general3A_49 = tpu.matmul %broadcast_in_dim3A_37, %slice3A_47, %dot_general3A_48 {dimension_numbers = #tpu.dot_dimension_numbers<[1], [0], [0], [1], [0, 0, 1, 1], [], []>, transpose_lhs_hint = false} : vector<1x160xf32>, vector<160x128xf32>, vector<1x128xf32> -> vector<1x128xf32>
    %add3A_50 = arith.addf %dot_general3A_46, %dot_general3A_49 : vector<1x128xf32>
    %broadcast_in_dim3A_51 = arith.constant 0.000000e+00 : f32
    %broadcast_in_dim3A_52 = vector.broadcast %broadcast_in_dim3A_51 : f32 to vector<4x128xf32>
    %concatenate3A = tpu.concatenate %broadcast_in_dim3A_26, %broadcast_in_dim3A_31, %add3A_43, %add3A_50, %broadcast_in_dim3A_52 in 0 : vector<1x128xf32>, vector<1x128xf32>, vector<1x128xf32>, vector<1x128xf32>, vector<4x128xf32> -> vector<8x128xf32>
    %eq3A = arith.constant 0 : i32
    %eq3A_53 = arith.cmpi eq, %arg0, %eq3A : i32
    %convert_element_type3A_54 = arith.extui %eq3A_53 : i1 to i32
    %cond3A = arith.constant 0 : i32
    %cond3A_55 = arith.cmpi ne, %convert_element_type3A_54, %cond3A : i32
    scf.if %cond3A_55 {
      %swap3A = arith.constant 0 : index
      %swap3A_60 = arith.constant 0 : index
      %swap3A_61 = vector.load %arg3[%swap3A, %swap3A_60] : memref<8x128xf32, #tpu.memory_space<vmem>>, vector<8x128xf32>
      tpu.vector_store %arg3[%swap3A, %swap3A_60], %concatenate3A {strides = array<i32>} : memref<8x128xf32, #tpu.memory_space<vmem>>, vector<8x128xf32>,
    } else {
    }
    %gt3A = arith.constant 0 : i32
    %gt3A_56 = arith.cmpi sgt, %arg0, %gt3A : i32
    %convert_element_type3A_57 = arith.extui %gt3A_56 : i1 to i32
    %cond3A_58 = arith.constant 0 : i32
    %cond3A_59 = arith.cmpi ne, %convert_element_type3A_57, %cond3A_58 : i32
    scf.if %cond3A_59 {
      %get3A_60 = arith.constant 0 : index
      %get3A_61 = arith.constant 0 : index
      %get3A_62 = vector.load %arg3[%get3A_60, %get3A_61] : memref<8x128xf32, #tpu.memory_space<vmem>>, vector<8x128xf32>
      %add3A_63 = arith.addf %get3A_62, %concatenate3A : vector<8x128xf32>
      %swap3A = arith.constant 0 : index
      %swap3A_64 = arith.constant 0 : index
      %swap3A_65 = vector.load %arg3[%swap3A, %swap3A_64] : memref<8x128xf32, #tpu.memory_space<vmem>>, vector<8x128xf32>
      tpu.vector_store %arg3[%swap3A, %swap3A_64], %add3A_63 {strides = array<i32>} : memref<8x128xf32, #tpu.memory_space<vmem>>, vector<8x128xf32>,
    } else {
    }
    return
  }
  func.func @transform_0(%arg0: i32) -> (i32, i32, i32) {
    %c0_i32 = arith.constant 0 : i32
    %c0_i32_0 = arith.constant 0 : i32
    %c0_i32_1 = arith.constant 0 : i32
    return %arg0, %c0_i32, %c0_i32_0 : i32, i32, i32
  }
  func.func @transform_1(%arg0: i32) -> (i32, i32, i32, i32) {
    %c0_i32 = arith.constant 0 : i32
    %c0_i32_0 = arith.constant 0 : i32
    %c0_i32_1 = arith.constant 0 : i32
    %c0_i32_2 = arith.constant 0 : i32
    return %arg0, %c0_i32, %c0_i32_0, %c0_i32_1 : i32, i32, i32, i32
  }
  func.func @transform_2(%arg0: i32) -> (i32, i32) {
    %c0_i32 = arith.constant 0 : i32
    %c0_i32_0 = arith.constant 0 : i32
    %c0_i32_1 = arith.constant 0 : i32
    return %c0_i32, %c0_i32_0 : i32, i32
  }
}

module attributes {stable_mosaic.version = 14 : i64} {
  func.func @_out_body(%arg0: i32, %arg1: memref<4x320x128xf32, #tpu.memory_space<vmem>>, %arg2: memref<8x128xf32, #tpu.memory_space<vmem>>, %arg3: memref<8x128xf32, #tpu.memory_space<vmem>>, %arg4: memref<128x128xf32, #tpu.memory_space<vmem>>, %arg5: memref<4x320x128xf32, #tpu.memory_space<vmem>>) attributes {dimension_semantics = [#tpu.dimension_semantics<arbitrary>], iteration_bounds = array<i64: 8>, scalar_prefetch = 0 : i64, scratch_operands = 0 : i64, tpu.core_type = #tpu.core_type<tc>, window_params = [{transform_indices = @transform_0, window_bounds = array<i64: 4, 320, 128>}, {pipeline_mode = #tpu.pipeline_mode<synchronous>, transform_indices = @transform_1, window_bounds = array<i64: 8, 128>}, {pipeline_mode = #tpu.pipeline_mode<synchronous>, transform_indices = @transform_2, window_bounds = array<i64: 8, 128>}, {pipeline_mode = #tpu.pipeline_mode<synchronous>, transform_indices = @transform_3, window_bounds = array<i64: 128, 128>}, {transform_indices = @transform_4, window_bounds = array<i64: 4, 320, 128>}]} {
    %get3A = arith.constant 0 : index
    %get3A_0 = arith.constant 0 : index
    %get3A_1 = arith.constant 0 : index
    %get3A_2 = vector.load %arg1[%get3A, %get3A_0, %get3A_1] : memref<4x320x128xf32, #tpu.memory_space<vmem>>, vector<4x320x128xf32>
    %reshape3A = vector.shape_cast %get3A_2 : vector<4x320x128xf32> to vector<1280x128xf32>
    %get3A_3 = arith.constant 0 : index
    %get3A_4 = arith.constant 0 : index
    %get3A_5 = vector.load %arg2[%get3A_3, %get3A_4] : memref<8x128xf32, #tpu.memory_space<vmem>>, vector<1x128xf32>
    %mul3A = arith.constant 9.76562514E-5 : f32
    %mul3A_6 = vector.broadcast %mul3A : f32 to vector<1x128xf32>
    %mul3A_7 = arith.mulf %get3A_5, %mul3A_6 : vector<1x128xf32>
    %get3A_8 = arith.constant 1 : index
    %get3A_9 = arith.constant 0 : index
    %get3A_10 = vector.load %arg2[%get3A_8, %get3A_9] : memref<8x128xf32, #tpu.memory_space<vmem>>, vector<1x128xf32>
    %mul3A_11 = arith.constant 9.76562514E-5 : f32
    %mul3A_12 = vector.broadcast %mul3A_11 : f32 to vector<1x128xf32>
    %mul3A_13 = arith.mulf %get3A_10, %mul3A_12 : vector<1x128xf32>
    %mul3A_14 = arith.mulf %mul3A_7, %mul3A_7 : vector<1x128xf32>
    %sub3A = arith.subf %mul3A_13, %mul3A_14 : vector<1x128xf32>
    %get3A_15 = arith.constant 5 : index
    %get3A_16 = arith.constant 0 : index
    %get3A_17 = vector.load %arg3[%get3A_15, %get3A_16] : memref<8x128xf32, #tpu.memory_space<vmem>>, vector<1x128xf32>
    %add3A = arith.constant 9.99999974E-6 : f32
    %add3A_18 = vector.broadcast %add3A : f32 to vector<1x128xf32>
    %add3A_19 = arith.addf %sub3A, %add3A_18 : vector<1x128xf32>
    %rsqrt3A = math.rsqrt %add3A_19 : vector<1x128xf32>
    %mul3A_20 = arith.mulf %get3A_17, %rsqrt3A : vector<1x128xf32>
    %get3A_21 = arith.constant 6 : index
    %get3A_22 = arith.constant 0 : index
    %get3A_23 = vector.load %arg3[%get3A_21, %get3A_22] : memref<8x128xf32, #tpu.memory_space<vmem>>, vector<1x128xf32>
    %mul3A_24 = arith.mulf %mul3A_7, %mul3A_20 : vector<1x128xf32>
    %sub3A_25 = arith.subf %get3A_23, %mul3A_24 : vector<1x128xf32>
    %mul3A_26 = vector.broadcast %mul3A_20 : vector<1x128xf32> to vector<1280x128xf32>
    %mul3A_27 = arith.mulf %reshape3A, %mul3A_26 : vector<1280x128xf32>
    %add3A_28 = vector.broadcast %sub3A_25 : vector<1x128xf32> to vector<1280x128xf32>
    %add3A_29 = arith.addf %mul3A_27, %add3A_28 : vector<1280x128xf32>
    %max3A = arith.constant 0.000000e+00 : f32
    %max3A_30 = vector.broadcast %max3A : f32 to vector<1280x128xf32>
    %max3A_31 = arith.maximumf %add3A_29, %max3A_30 : vector<1280x128xf32>
    %get3A_32 = arith.constant 0 : index
    %get3A_33 = arith.constant 0 : index
    %get3A_34 = vector.load %arg4[%get3A_32, %get3A_33] : memref<128x128xf32, #tpu.memory_space<vmem>>, vector<128x128xf32>
    %dot_general3A = arith.constant dense<0.000000e+00> : vector<1280x128xf32>
    %dot_general3A_35 = tpu.matmul %max3A_31, %get3A_34, %dot_general3A {dimension_numbers = #tpu.dot_dimension_numbers<[1], [0], [0], [1], [0, 0, 1, 1], [], []>, transpose_lhs_hint = false} : vector<1280x128xf32>, vector<128x128xf32>, vector<1280x128xf32> -> vector<1280x128xf32>
    %get3A_36 = arith.constant 7 : index
    %get3A_37 = arith.constant 0 : index
    %get3A_38 = vector.load %arg3[%get3A_36, %get3A_37] : memref<8x128xf32, #tpu.memory_space<vmem>>, vector<1x128xf32>
    %add3A_39 = vector.broadcast %get3A_38 : vector<1x128xf32> to vector<1280x128xf32>
    %add3A_40 = arith.addf %dot_general3A_35, %add3A_39 : vector<1280x128xf32>
    %reshape3A_41 = vector.shape_cast %add3A_40 : vector<1280x128xf32> to vector<4x320x128xf32>
    %swap3A = arith.constant 0 : index
    %swap3A_42 = arith.constant 0 : index
    %swap3A_43 = arith.constant 0 : index
    %swap3A_44 = vector.load %arg5[%swap3A, %swap3A_42, %swap3A_43] : memref<4x320x128xf32, #tpu.memory_space<vmem>>, vector<4x320x128xf32>
    tpu.vector_store %arg5[%swap3A, %swap3A_42, %swap3A_43], %reshape3A_41 {strides = array<i32>} : memref<4x320x128xf32, #tpu.memory_space<vmem>>, vector<4x320x128xf32>,
    return
  }
  func.func @transform_0(%arg0: i32) -> (i32, i32, i32) {
    %c0_i32 = arith.constant 0 : i32
    %c0_i32_0 = arith.constant 0 : i32
    %c0_i32_1 = arith.constant 0 : i32
    return %arg0, %c0_i32, %c0_i32_0 : i32, i32, i32
  }
  func.func @transform_1(%arg0: i32) -> (i32, i32) {
    %c0_i32 = arith.constant 0 : i32
    %c0_i32_0 = arith.constant 0 : i32
    %c0_i32_1 = arith.constant 0 : i32
    return %c0_i32, %c0_i32_0 : i32, i32
  }
  func.func @transform_2(%arg0: i32) -> (i32, i32) {
    %c0_i32 = arith.constant 0 : i32
    %c0_i32_0 = arith.constant 0 : i32
    %c0_i32_1 = arith.constant 0 : i32
    return %c0_i32, %c0_i32_0 : i32, i32
  }
  func.func @transform_3(%arg0: i32) -> (i32, i32) {
    %c0_i32 = arith.constant 0 : i32
    %c0_i32_0 = arith.constant 0 : i32
    %c0_i32_1 = arith.constant 0 : i32
    return %c0_i32, %c0_i32_0 : i32, i32
  }
  func.func @transform_4(%arg0: i32) -> (i32, i32, i32) {
    %c0_i32 = arith.constant 0 : i32
    %c0_i32_0 = arith.constant 0 : i32
    %c0_i32_1 = arith.constant 0 : i32
    return %arg0, %c0_i32, %c0_i32_0 : i32, i32, i32
  }
}

</mosaic_0001>

<sc_bundles>
// kernel: kernel.6.cloned.1.call-start
scs
__scs_entry_jumppad:
0x0: {  	(pc) =	sbr.rel $0x88, $3  }
0x1: {  	(tag) =	ssettag $0x0;
	lr =	simm.s32 $0x1  }
0x2: {  	[smem:$0x3F97] =	sst lr;
	_ =	strace $0xD0000000  }
0x3: {  	_ = 	snop  }
0x4: {  	_ = 	snop  }
0x5: {  	_ = 	snop  }
0x6: {  	_ = 	snop  }
0x7: {  	_ = 	snop  }
__scs_overlays_trampoline_lowered:
0x8: {  	[smem:$0x3FA6] =	sst s0  }
0x9: {  	[smem:$0x3FA7] =	sst s1  }
0xa: {  	[smem:$0x3FA8] =	sst s2  }
0xb: {  	[smem:$0x3FA9] =	sst s3  }
0xc: {  	[smem:$0x3FAA] =	sst s4  }
0xd: {  	[smem:$0x3FAB] =	sst s5  }
0xe: {  	[smem:$0x3FAC] =	sst s6  }
0xf: {  	[smem:$0x3FAD] =	sst s7  }
0x10: {  	[smem:$0x3FAE] =	sst s8  }
0x11: {  	[smem:$0x3FAF] =	sst s9;
	s0 =	simm.s32 @!p0 $0x0  }
0x12: {  	s1 =	sld [smem:$0x3F95];
	s0 =	simm.s32 @p0 $0x1  }
0x13: {  	[smem:$0x3FB0] =	sst s0;
	s0 =	simm.s32 @!p1 $0x0  }
0x14: {  	s2 =	sld [smem:$0x3F94];
	s0 =	simm.s32 @p1 $0x1  }
0x15: {  	[smem:$0x3FB1] =	sst s0;
	s0 =	simm.s32 @!p2 $0x0  }
0x16: {  	s3 =	sld [smem:$0x3FDB];
	s0 =	simm.s32 @p2 $0x1  }
0x17: {  	s4 =	simm.s32 $0x1BF5;
	[smem:$0x3FB3] =	sst s0  }
0x18: {  	s0 =	sld [smem:$0x3F96];
	_ =	swait.ge [sflag:s4], $0x0  }
0x19: {  	s7 =	sld [smem:$0x3F97]  }
0x1a: {  	s8 =	sadd.s32 $0xFFFFE003, lr  }
0x1b: {  	s9 =	sadd.s32 $0xFFFFFEF7, lr;
	s5 =	simm.s32 $0xFFFFFFFF;
	p2 =	slt.u32 s8, $0xFFFFF086  }
0x1c: {  	p1 =	slt.u32 s9, $0xF7A;
	s5 =	simm.s32 @!p2 $0x0  }
0x1d: {  	s5 =	simm.s32 @p1 $0x1;
	p0 =	seq.s32 s7, s2  }
0x1e: {  	s7 =	smul.u32 @!p0 $0xF7A, s2;
	p2 =	seq.s32 @!p0 s5, $0x0  }
0x1f: {  	s9 =	smul.u32 $0xF7A, s1;
	s8 =	simm.s32 @!p0 $0x1BF5;
	p2 =	por !p2, p0  }
0x20: {  	[sflag:s8] =	ssyncset.s32 @!p0 $0xFFFFF086;
	s6 =	sadd.s32 @!p0 s3, s7;
	s7 =	simm.s32 @!p0 $0x108  }
0x21: {  	s3 =	sadd.s32 s3, s9;
	s6 =	sadd.s32 @!p0 $0x88, s6;
	s7 =	simm.s32 @p2 $0x1082  }
0x22: {  	[simem:s7], [sflag:s8] =	dma.local @!p0 [hbm:s6], $0xF7A  }
0x23: {  	s9 =	sor.u32 $0xD0000000, s2;
	s6 =	simm.s32 $0x108;
	_ =	swait.ge @!p0 [sflag:s8], $0x0  }
0x24: {  	s3 =	sadd.s32 $0x88, s3;
	s6 =	simm.s32 @!p1 $0x1082;
	[sflag:s4] =	ssyncset.s32 $0xFFFFF086  }
0x25: {  	[simem:s6], [sflag:s4] =	dma.local [hbm:s3], $0xF7A  }
0x26: {  	[smem:$0x3F97] =	sst s1;
	(tag) =	ssettag s2;
	_ =	strace s9  }
0x27: {  	s1 =	sld [smem:$0x3FA7]  }
0x28: {  	s2 =	sld [smem:$0x3FA8]  }
0x29: {  	s4 =	sld [smem:$0x3FAA]  }
0x2a: {  	p0 =	seq.s32 s5, $0x0;
	s5 =	sld [smem:$0x3FAB]  }
0x2b: {  	s6 =	sld [smem:$0x3FAC]  }
0x2c: {  	s7 =	sld [smem:$0x3FAD]  }
0x2d: {  	s3 =	simm.s32 $0x108;
	s8 =	sld [smem:$0x3FAE]  }
0x2e: {  	s3 =	simm.s32 @!p0 $0x1082;
	s9 =	sld [smem:$0x3FAF]  }
0x2f: {  	lr =	sadd.s32 s0, s3;
	s0 =	sld [smem:$0x3FA6]  }
0x30: {  	s3 =	sld [smem:$0x3FA9]  }
0x31: {  	[smem:$0x3FB2] =	sst s10  }
0x32: {  	s10 =	sld [smem:$0x3FB0];
	_ =	sdelay $0x3  }
0x33: {  	p0 =	seq.s32 s10, $0x1;
	s10 =	sld [smem:$0x3FB2];
	_ =	sdelay $0x3  }
0x34: {  	[smem:$0x3FB2] =	sst s10  }
0x35: {  	s10 =	sld [smem:$0x3FB1];
	_ =	sdelay $0x3  }
0x36: {  	p1 =	seq.s32 s10, $0x1;
	s10 =	sld [smem:$0x3FB2];
	_ =	sdelay $0x3  }
0x37: {  	[smem:$0x3FB2] =	sst s10  }
0x38: {  	s10 =	sld [smem:$0x3FB3]  }
0x39: {  	_ = 	snop;
	(pc) =	sbr.ind lr, $3  }
0x3a: {  	_ = 	snop  }
0x3b: {  	_ = 	snop  }
0x3c: {  	p2 =	seq.s32 s10, $0x1;
	s10 =	sld [smem:$0x3FB2]  }
0x3d: {  	_ =	shalt  }
0x3e: {  	_ =	shalt  }
0x3f: {  	_ =	shalt  }
0x40: {  	_ =	shalt  }
0x41: {  	_ =	shalt  }
0x42: {  	_ =	shalt  }
0x43: {  	_ =	shalt  }
0x44: {  	_ =	shalt  }
0x45: {  	_ =	shalt  }
0x46: {  	_ =	shalt  }
0x47: {  	_ =	shalt  }
0x48: {  	_ =	shalt  }
0x49: {  	_ =	shalt  }
0x4a: {  	_ =	shalt  }
0x4b: {  	_ =	shalt  }
0x4c: {  	_ =	shalt  }
0x4d: {  	_ =	shalt  }
0x4e: {  	_ =	shalt  }
0x4f: {  	_ =	shalt  }
0x50: {  	_ =	shalt  }
0x51: {  	_ =	shalt  }
0x52: {  	_ =	shalt  }
0x53: {  	_ =	shalt  }
0x54: {  	_ =	shalt  }
0x55: {  	_ =	shalt  }
0x56: {  	_ =	shalt  }
0x57: {  	_ =	shalt  }
0x58: {  	_ =	shalt  }
0x59: {  	_ =	shalt  }
0x5a: {  	_ =	shalt  }
0x5b: {  	_ =	shalt  }
0x5c: {  	_ =	shalt  }
0x5d: {  	_ =	shalt  }
0x5e: {  	_ =	shalt  }
0x5f: {  	_ =	shalt  }
0x60: {  	_ =	shalt  }
0x61: {  	_ =	shalt  }
0x62: {  	_ =	shalt  }
0x63: {  	_ =	shalt  }
0x64: {  	_ =	shalt  }
0x65: {  	_ =	shalt  }
0x66: {  	_ =	shalt  }
0x67: {  	_ =	shalt  }
0x68: {  	_ =	shalt  }
0x69: {  	_ =	shalt  }
0x6a: {  	_ =	shalt  }
0x6b: {  	_ =	shalt  }
0x6c: {  	_ =	shalt  }
0x6d: {  	_ =	shalt  }
0x6e: {  	_ =	shalt  }
0x6f: {  	_ =	shalt  }
0x70: {  	_ =	shalt  }
0x71: {  	_ =	shalt  }
0x72: {  	_ =	shalt  }
0x73: {  	_ =	shalt  }
0x74: {  	_ =	shalt  }
0x75: {  	_ =	shalt  }
0x76: {  	_ =	shalt  }
0x77: {  	_ =	shalt  }
0x78: {  	_ =	shalt  }
0x79: {  	_ =	shalt  }
0x7a: {  	_ =	shalt  }
0x7b: {  	_ =	shalt  }
0x7c: {  	_ =	shalt  }
0x7d: {  	_ =	shalt  }
0x7e: {  	_ =	shalt  }
0x7f: {  	_ =	shalt  }
0x80: {  	_ =	shalt  }
0x81: {  	_ =	shalt  }
0x82: {  	_ =	shalt  }
0x83: {  	_ =	shalt  }
0x84: {  	_ =	shalt  }
0x85: {  	_ =	shalt  }
0x86: {  	_ =	shalt  }
0x87: {  	_ =	shalt  }
.Lfunc_end0:
.L_simem_size_0:
called_computation_lowered:
.L_overlay_start_0:
0x88: {  	s2 =	sld [smem:$0x3FD9]  }
0x89: {  	s3 =	sld [smem:$0x3FFE];
	_ =	sdelay $0x1  }
0x8a: {  	s1 =	srdreg.scid  }
0x8b: {  	s0 =	sand.u32 $0x1, s1  }
0x8c: {  	s17 =	sshll.u32 s0, $0xA;
	s2 =	sadd.s32 s3, s2  }
0x8d: {  	s2 =	sadd.s32 s2, s17  }
0x8e: {  	[smem:$0x3FBE] =	sst s2  }
0x8f: {  	_ = 	snop  }
0x90: {  	s2 =	sld [smem:$0x3FD0];
	(tm) =	ssettm $0x1  }
0x91: {  	s18 =	sld [smem:$0x3FFB];
	_ =	sdelay $0x3  }
0x92: {  	_ =	strace s18  }
0x93: {  	s3 =	sld [smem:$0x3FFC];
	_ =	sdelay $0x3  }
0x94: {  	_ =	strace s3  }
0x95: {  	s3 =	sld [smem:$0x3FFD];
	_ =	sdelay $0x3  }
0x96: {  	_ =	strace s3  }
0x97: {  	_ =	strace $0x8FFFFFFF  }
0x98: {  	s19 =	sld [smem:$0x3FDB];
	_ =	sdelay $0x1  }
0x99: {  	s4 =	simm.s32 $_scs_section_size  }
0x9a: {  	s5 =	simm.s32 $_size__tile_overlayer_lowered;
	s6 =	simm.s32 $_tile_overlayer_lowered  }
0x9b: {  	s22 =	simm.s32 $0x1BFF;
	s21 =	sshll.u32 s6, $0x1;
	s3 =	sadd.s32 s4, s19  }
0x9c: {  	s7 =	simm.s32 $0x0;
	s20 =	sshll.u32 s5, $0x1;
	s5 =	sadd.s32 s21, s3  }
0x9d: {  	[timem:s7], [sflag:s22] =	dma.local [hbm:s5], s20  }
0x9e: {  	_ =	swait.ge [sflag:s22], s20  }
0x9f: {  	s4 =	ssub.s32 $0x0, s20;
	[sflag:s22] =	ssyncset.done $0x0  }
0xa0: {  	[sflag:s22] =	ssyncadd.s32 s4;
	_ =	sdelay $0x1  }
0xa1: {  	s23 =	simm.s32 $0x1B8B  }
0xa2: {  	_ =	swait.ge [sflag:s23], $0x1  }
0xa3: {  	[sflag:s23] =	ssyncset.done $0x0  }
0xa4: {  	s25 =	simm.s32 $0x1B8E;
	s24 =	sld [smem:$0x3FFE];
	[sflag:s23] =	ssyncadd.s32 $0xFFFFFFFF  }
0xa5: {  	s26 =	simm.s32 $execute0_lowered;
	[smem:$0x3FD2] =	sst s25  }
0xa6: {  	s5 =	sshll.u32 s26, $0x1;
	_ =	strace $0x80000046;
	[dreg:$0x1] =	wrdreg $0xFFFFFFFF  }
0xa7: {  	s28 =	simm.s32 $_size_execute0_lowered;
	s3 =	sadd.s32 s3, s5;
	[dreg:$0x0] =	wrdreg $0x0  }
0xa8: {  	s5 =	sshll.u32 s28, $0x1;
	[dreg:$0x2] =	wrdreg s3  }
0xa9: {  	[dreg:$0x3] =	wrdreg s5  }
0xaa: {  	[dreg:$0x4] =	wrdreg $0xC0  }
0xab: {  	_ =	task [dreg:s7], $0x5FFFF  }
0xac: {  	[dreg:$0x1] =	wrdreg $0xFFFFFFFF  }
0xad: {  	[dreg:$0x0] =	wrdreg $0x60  }
0xae: {  	[dreg:$0x2] =	wrdreg s24  }
0xaf: {  	[dreg:$0x3] =	wrdreg s2  }
0xb0: {  	[dreg:$0x4] =	wrdreg $0x9  }
0xb1: {  	_ =	task.clear_ibuf [dreg:s7], $0x5FFFF;
	_ =	strace $0x90000046  }
0xb2: {  	s29 =	simm.s32 $0x9;
	_ =	strace $0x80000048  }
0xb3: {  	_ =	swait.ge [sflag:s29], $0x1  }
0xb4: {  	[sflag:s29] =	ssyncadd.s32 $0xFFFFFFFF  }
0xb5: {  	_ =	strace $0x90000048  }
0xb6: {  	_ =	sfence  }
0xb7: {  	s30 =	sld [smem:$0x0];
	_ =	sdelay $0x2  }
0xb8: {  	s31 =	sshll.u32 s1, $0xD;
	s1 =	sshrl.u32 s1, $0x2  }
0xb9: {  	s3 =	sand.u32 $0x4000, s31;
	s1 =	sadd.s32 s1, s30  }
0xba: {  	s0 =	sor.u32 s3, s0;
	s1 =	sshll.u32 s1, $0x11  }
0xbb: {  	s0 =	sor.u32 s1, s0  }
0xbc: {  	s0 =	sadd.s32 $0x8F2B, s0  }
0xbd: {  	[sflag:s0] =	ssyncadd.remote.s32 $0x1  }
0xbe: {  	_ =	sfence.sel $0xFFFF  }
0xbf: {  	[dreg:$0x0] =	wrdreg $0xFFFFFFFF;
	(pc) =	sbr.abs _section_cstart, $3  }
0xc0: {  	[dreg:$0x1] =	wrdreg $0xFFFFFFFF  }
0xc1: {  	_ =	task.clear_ibuf [dreg:s7], $0x2FFFF;
	_ =	strace $0x9FFFFFFF  }
0xc2: {  	(tm) =	ssettm $0x7FFFFFFF  }
0xc3: {  	_ =	shalt  }
tec
execute0_lowered:
.L_overlay_start_1:
0x0: {  	(tag) =	ssettag $0x1  }
0x1: {  	s3 =	rddreg [dreg:$0x0];
	s1 =	srdreg.scid  }
0x2: {  	s0 =	stileid.u32;
	s4 =	rddreg [dreg:$0x1];
	s10 =	simm.s32 $0x1  }
0x3: {  	s11 =	simm.s32 $0x2800;
	s12 =	simm.s32 $0x100;
	s13 =	simm.s32 $0x5000  }
0x4: {  	s14 =	simm.s32 $0x11880;
	s5 =	sand.u32 $0x1, s1;
	s2 =	sshll.u32 s0, $0x1  }
0x5: {  	s1 =	rddreg [dreg:$0x2];
	s7 =	sshrl.u32 s0, $0x2;
	s6 =	sor.u32 s5, s2  }
0x6: {  	s2 =	simm.s32 $0x0;
	s7 =	smul.u32 $0x14000, s7;
	s5 =	ssub.s32 $0x2, s5  }
0x7: {  	s8 =	sshll.u32 s6, $0x7;
	[smem:$0x7FF] =	sst s2;
	s6 =	smul.u32 $0x3200, s6  }
0x8: {  	s31 =	sshrl.u32 s5, $0x1;
	s8 =	sand.u32 $0x380, s8;
	_ =	strace $0x80000047  }
0x9: {  	s7 =	sor.u32 s7, s8;
	s6 =	sadd.s32 s6, s3;
	s8 =	ssub.s32 s5, s31  }
0xa: {  	s7 =	sshrl.u32 s7, $0x3;
	s5 =	sadd.s32 $0xC200, s6;
	s6 =	sadd.s32 $0xC210, s6  }
0xb: {  	v0 =	vimm.s32 $0x0;
	vm0 =	vcmask $0x300;
	s9 =	sadd.s32 s7, s3;
	s4 =	sadd.s32 s4, s7;
	s7 =	smax.u32 s8, $0x1  }
0xc: {  	v1 =	vimm.s32 $0x1;
	v2 =	vsel vm0, $0xFFFFFFFF, v0;
	s8 =	simm.s32 $0x80;
	s3 =	sadd.s32 $0x2200, s9;
	s9 =	simm.s32 $0x400  }
.LBB2_1:
0xd: {  	s15 =	simm.s32 $0x40;
	s16 =	simm.s32 $0x0  }
.LBB2_2:
0xe: {  	p0 =	sne.s32 s15, $0x32000;
	[tilespmem:s16+$0x5000] =	vst v0;
	s17 =	smov.u32 s15;
	s15 =	sadd.s32 $0x40, s15  }
.Ltmp0:
0xf: {  	[tilespmem:s16+$0x11880] =	vst v0;
	(pc) =	sbr.rel @p0 .LBB2_2-.Ltmp0, $2  }
0x10: {  	_ =	sdelay $0x2  }
0x11: {  	s16 =	sshra.s32 s17, $0x2  }
0x12: {  	[tilespmem:s16+$0x5000] =	vst v0  }
0x13: {  	[tilespmem:s16+$0x11880] =	vst v0;
	s15 =	simm.s32 $0x0  }
0x14: {  	[tilespmem:s15], [sflag:$0x1] =	stream.strided.gather [hbm4b:s3+s8], $0x2800, s9, s8, $0x38;
	[tilespmem:$0x1E100] =	vst v63  }
0x15: {  	_ =	swait.ge [sflag:s10], $0x2800  }
0x16: {  	[sflag:s10] =	ssyncset.done $0x0  }
0x17: {  	[sflag:s10] =	ssyncadd.s32 $0xFFFFD800  }
0x18: {  	[tilespmem:s11], [sflag:$0x1] =	stream.strided.gather [hbm4b:s4+s8], $0x2800, s9, s8, $0x38;
	[tilespmem:$0x1E100] =	vst v63  }
0x19: {  	_ =	swait.ge [sflag:s10], $0x2800  }
0x1a: {  	[sflag:s10] =	ssyncset.done $0x0  }
0x1b: {  	s31 =	simm.s32 $0x0;
	[sflag:s10] =	ssyncadd.s32 $0xFFFFD800  }
0x1c: {  	v3 =	vld [tilespmem:s31+$0x0]  }
0x1d: {  	v4 =	vld [tilespmem:s31+$0x2800];
	_ =	sdelay $0x3  }
0x1e: {  	v3 =	vmul.u32 $0xA0, v3  }
0x1f: {  	vm0 =	vgt.s32 v4, $0x9F  }
0x20: {  	v3 =	vadd.s32 v4, v3;
	v4 =	vsel vm0, $0xFFFFFF60, v0  }
0x21: {  	v3 =	vadd.s32 v4, v3  }
0x22: {  	v4 =	vadd.s32 $0x5000, v3  }
0x23: {  	(v2sf) =	vpush v4, $0x0;
	_ =	sdelay $0x5  }
0x24: {  	v3 =	vadd.s32 $0x11880, v3  }
0x25: {  	(v2sf) =	vpush v3, $0x1;
	_ =	sdelay $0x6  }
0x26: {  	(v2sf) =	vpush v4, $0x2  }
0x27: {  	s16 =	spop (v2sf)  }
0x28: {  	v5 =	vld [tilespmem:s16+$0x0]  }
0x29: {  	v6 =	vsel vm0, $0x10000, v1  }
0x2a: {  	v7 =	vbroadcast v6, $0x0;
	_ =	sdelay $0x1  }
0x2b: {  	v7 =	vand.u32 v2, v7  }
0x2c: {  	(v2sf) =	vpush v3, $0x3;
	v5 =	vadd.s32 v5, v7  }
0x2d: {  	s17 =	spop (v2sf);
	[tilespmem:s16+$0x0] =	vst v5  }
0x2e: {  	v5 =	vld [tilespmem:s17+$0x0];
	_ =	sdelay $0x1  }
0x2f: {  	v53 =	vbroadcast v6, $0x1;
	_ =	sdelay $0x1  }
0x30: {  	v7 =	vand.u32 v2, v53  }
0x31: {  	(v2sf) =	vpush v4, $0x4;
	v5 =	vadd.s32 v5, v7  }
0x32: {  	s18 =	spop (v2sf);
	[tilespmem:s17+$0x0] =	vst v5  }
0x33: {  	v5 =	vld [tilespmem:s18+$0x0];
	_ =	sdelay $0x1  }
0x34: {  	v54 =	vbroadcast v6, $0x2;
	_ =	sdelay $0x1  }
0x35: {  	v7 =	vand.u32 v2, v54  }
0x36: {  	(v2sf) =	vpush v3, $0x5;
	v5 =	vadd.s32 v7, v5  }
0x37: {  	s19 =	spop (v2sf);
	[tilespmem:s18+$0x0] =	vst v5  }
0x38: {  	v5 =	vld [tilespmem:s19+$0x0];
	_ =	sdelay $0x1  }
0x39: {  	v55 =	vbroadcast v6, $0x3;
	_ =	sdelay $0x1  }
0x3a: {  	v7 =	vand.u32 v2, v55  }
0x3b: {  	(v2sf) =	vpush v4, $0x6;
	v5 =	vadd.s32 v7, v5  }
0x3c: {  	s20 =	spop (v2sf);
	[tilespmem:s19+$0x0] =	vst v5  }
0x3d: {  	v5 =	vld [tilespmem:s20+$0x0];
	_ =	sdelay $0x1  }
0x3e: {  	v56 =	vbroadcast v6, $0x4;
	_ =	sdelay $0x1  }
0x3f: {  	v7 =	vand.u32 v2, v56  }
0x40: {  	(v2sf) =	vpush v3, $0x7;
	v5 =	vadd.s32 v7, v5  }
0x41: {  	s21 =	spop (v2sf);
	[tilespmem:s20+$0x0] =	vst v5  }
0x42: {  	v5 =	vld [tilespmem:s21+$0x0];
	_ =	sdelay $0x1  }
0x43: {  	v57 =	vbroadcast v6, $0x5;
	_ =	sdelay $0x1  }
0x44: {  	v7 =	vand.u32 v2, v57  }
0x45: {  	(v2sf) =	vpush v4, $0x8;
	v5 =	vadd.s32 v7, v5  }
0x46: {  	s22 =	spop (v2sf);
	[tilespmem:s21+$0x0] =	vst v5  }
0x47: {  	v5 =	vld [tilespmem:s22+$0x0];
	_ =	sdelay $0x1  }
0x48: {  	v58 =	vbroadcast v6, $0x6;
	_ =	sdelay $0x1  }
0x49: {  	v7 =	vand.u32 v2, v58  }
0x4a: {  	(v2sf) =	vpush v3, $0x9;
	v5 =	vadd.s32 v7, v5  }
0x4b: {  	s23 =	spop (v2sf);
	[tilespmem:s22+$0x0] =	vst v5  }
0x4c: {  	v5 =	vld [tilespmem:s23+$0x0];
	_ =	sdelay $0x1  }
0x4d: {  	v59 =	vbroadcast v6, $0x7;
	_ =	sdelay $0x1  }
0x4e: {  	v7 =	vand.u32 v2, v59  }
0x4f: {  	(v2sf) =	vpush v4, $0xA;
	v5 =	vadd.s32 v7, v5  }
0x50: {  	s24 =	spop (v2sf);
	[tilespmem:s23+$0x0] =	vst v5  }
0x51: {  	v5 =	vld [tilespmem:s24+$0x0];
	_ =	sdelay $0x1  }
0x52: {  	v60 =	vbroadcast v6, $0x8;
	_ =	sdelay $0x1  }
0x53: {  	v7 =	vand.u32 v2, v60  }
0x54: {  	(v2sf) =	vpush v3, $0xB;
	v5 =	vadd.s32 v7, v5  }
0x55: {  	s25 =	spop (v2sf);
	[tilespmem:s24+$0x0] =	vst v5  }
0x56: {  	v5 =	vld [tilespmem:s25+$0x0];
	_ =	sdelay $0x1  }
0x57: {  	v61 =	vbroadcast v6, $0x9;
	_ =	sdelay $0x1  }
0x58: {  	v7 =	vand.u32 v2, v61  }
0x59: {  	(v2sf) =	vpush v4, $0xC;
	v5 =	vadd.s32 v7, v5  }
0x5a: {  	s26 =	spop (v2sf);
	[tilespmem:s25+$0x0] =	vst v5  }
0x5b: {  	v5 =	vld [tilespmem:s26+$0x0];
	_ =	sdelay $0x1  }
0x5c: {  	v62 =	vbroadcast v6, $0xA;
	_ =	sdelay $0x1  }
0x5d: {  	v7 =	vand.u32 v2, v62  }
0x5e: {  	(v2sf) =	vpush v3, $0xD;
	v5 =	vadd.s32 v7, v5  }
0x5f: {  	s28 =	spop (v2sf);
	[tilespmem:s26+$0x0] =	vst v5  }
0x60: {  	v5 =	vld [tilespmem:s28+$0x0];
	_ =	sdelay $0x1  }
0x61: {  	v63 =	vbroadcast v6, $0xB;
	_ =	sdelay $0x1  }
0x62: {  	v7 =	vand.u32 v2, v63  }
0x63: {  	(v2sf) =	vpush v4, $0xE;
	v5 =	vadd.s32 v7, v5  }
0x64: {  	s29 =	spop (v2sf);
	[tilespmem:s28+$0x0] =	vst v5  }
0x65: {  	v4 =	vld [tilespmem:s29+$0x0];
	_ =	sdelay $0x1  }
0x66: {  	v5 =	vbroadcast v6, $0xC;
	_ =	sdelay $0x1  }
0x67: {  	v5 =	vand.u32 v2, v5  }
0x68: {  	(v2sf) =	vpush v3, $0xF;
	v4 =	vadd.s32 v5, v4  }
0x69: {  	s30 =	spop (v2sf);
	[tilespmem:s29+$0x0] =	vst v4  }
0x6a: {  	v3 =	vld [tilespmem:s30+$0x0];
	_ =	sdelay $0x1  }
0x6b: {  	v4 =	vbroadcast v6, $0xD;
	_ =	sdelay $0x1  }
0x6c: {  	v4 =	vand.u32 v2, v4  }
0x6d: {  	v3 =	vadd.s32 v4, v3  }
0x6e: {  	s31 =	spop (v2sf);
	[tilespmem:s30+$0x0] =	vst v3  }
0x6f: {  	v3 =	vld [tilespmem:s31+$0x0];
	_ =	sdelay $0x1  }
0x70: {  	v4 =	vbroadcast v6, $0xE;
	_ =	sdelay $0x1  }
0x71: {  	v4 =	vand.u32 v2, v4  }
0x72: {  	v3 =	vadd.s32 v4, v3  }
0x73: {  	s17 =	spop (v2sf);
	[tilespmem:s31+$0x0] =	vst v3  }
0x74: {  	v3 =	vld [tilespmem:s17+$0x0];
	_ =	sdelay $0x1  }
0x75: {  	v4 =	vbroadcast v6, $0xF;
	_ =	sdelay $0x1  }
0x76: {  	v4 =	vand.u32 v2, v4  }
0x77: {  	s15 =	simm.s32 $0x40;
	s16 =	simm.s32 $0x80;
	v3 =	vadd.s32 v4, v3  }
.LBB2_4:
0x78: {  	p0 =	sne.s32 s16, $0x9FC0  }
0x79: {  	s18 =	sshra.s32 s15, $0x2;
	[tilespmem:s17+$0x0] =	vst v3;
	s15 =	smov.u32 s16;
	s16 =	sadd.s32 $0x40, s16  }
0x7a: {  	v3 =	vld [tilespmem:s18+$0x0]  }
0x7b: {  	v4 =	vld [tilespmem:s18+$0x2800];
	_ =	sdelay $0x3  }
0x7c: {  	v3 =	vmul.u32 $0xA0, v3  }
0x7d: {  	vm0 =	vgt.s32 v4, $0x9F  }
0x7e: {  	v3 =	vadd.s32 v4, v3;
	v4 =	vsel vm0, $0xFFFFFF60, v0;
	v13 =	vsel vm0, $0x10000, v1  }
0x7f: {  	v3 =	vadd.s32 v4, v3;
	v14 =	vbroadcast v13, $0x0;
	v15 =	vbroadcast v13, $0x1  }
0x80: {  	v16 =	vbroadcast v13, $0x2;
	v7 =	vadd.s32 $0x5000, v3;
	v5 =	vadd.s32 $0x11880, v3  }
0x81: {  	v17 =	vbroadcast v13, $0x3;
	v18 =	vbroadcast v13, $0x4;
	(v2sf) =	vpush v7, $0x0  }
0x82: {  	v19 =	vbroadcast v13, $0x5;
	v20 =	vbroadcast v13, $0x6  }
0x83: {  	v21 =	vbroadcast v13, $0x7;
	v12 =	vbroadcast v13, $0x8  }
0x84: {  	v11 =	vbroadcast v13, $0x9;
	v10 =	vbroadcast v13, $0xA  }
0x85: {  	v9 =	vbroadcast v13, $0xB;
	v8 =	vbroadcast v13, $0xC  }
0x86: {  	v6 =	vbroadcast v13, $0xD;
	v4 =	vbroadcast v13, $0xE  }
0x87: {  	v3 =	vbroadcast v13, $0xF  }
0x88: {  	(v2sf) =	vpush v5, $0x1;
	_ =	sdelay $0x6  }
0x89: {  	(v2sf) =	vpush v7, $0x2  }
0x8a: {  	s17 =	spop (v2sf)  }
0x8b: {  	v13 =	vld [tilespmem:s17+$0x0];
	_ =	sdelay $0x3  }
0x8c: {  	v14 =	vand.u32 v2, v14  }
0x8d: {  	v13 =	vadd.s32 v13, v14;
	(v2sf) =	vpush v5, $0x3  }
0x8e: {  	[tilespmem:s17+$0x0] =	vst v13;
	s17 =	spop (v2sf)  }
0x8f: {  	v13 =	vld [tilespmem:s17+$0x0];
	_ =	sdelay $0x3  }
0x90: {  	v14 =	vand.u32 v2, v15  }
0x91: {  	v13 =	vadd.s32 v13, v14;
	(v2sf) =	vpush v7, $0x4  }
0x92: {  	[tilespmem:s17+$0x0] =	vst v13;
	s17 =	spop (v2sf)  }
0x93: {  	v13 =	vld [tilespmem:s17+$0x0];
	_ =	sdelay $0x3  }
0x94: {  	v14 =	vand.u32 v2, v16  }
0x95: {  	v13 =	vadd.s32 v14, v13;
	(v2sf) =	vpush v5, $0x5  }
0x96: {  	[tilespmem:s17+$0x0] =	vst v13;
	s17 =	spop (v2sf)  }
0x97: {  	v13 =	vld [tilespmem:s17+$0x0];
	_ =	sdelay $0x3  }
0x98: {  	v14 =	vand.u32 v2, v17  }
0x99: {  	v13 =	vadd.s32 v14, v13;
	(v2sf) =	vpush v7, $0x6  }
0x9a: {  	[tilespmem:s17+$0x0] =	vst v13;
	s17 =	spop (v2sf)  }
0x9b: {  	v13 =	vld [tilespmem:s17+$0x0];
	_ =	sdelay $0x3  }
0x9c: {  	v14 =	vand.u32 v2, v18  }
0x9d: {  	v13 =	vadd.s32 v14, v13;
	(v2sf) =	vpush v5, $0x7  }
0x9e: {  	[tilespmem:s17+$0x0] =	vst v13;
	s17 =	spop (v2sf)  }
0x9f: {  	v13 =	vld [tilespmem:s17+$0x0];
	_ =	sdelay $0x3  }
0xa0: {  	v14 =	vand.u32 v2, v19  }
0xa1: {  	v13 =	vadd.s32 v14, v13;
	(v2sf) =	vpush v7, $0x8  }
0xa2: {  	[tilespmem:s17+$0x0] =	vst v13;
	s17 =	spop (v2sf)  }
0xa3: {  	v13 =	vld [tilespmem:s17+$0x0];
	_ =	sdelay $0x3  }
0xa4: {  	v14 =	vand.u32 v2, v20  }
0xa5: {  	v13 =	vadd.s32 v14, v13;
	(v2sf) =	vpush v5, $0x9  }
0xa6: {  	[tilespmem:s17+$0x0] =	vst v13;
	s17 =	spop (v2sf)  }
0xa7: {  	v13 =	vld [tilespmem:s17+$0x0];
	_ =	sdelay $0x3  }
0xa8: {  	v14 =	vand.u32 v2, v21  }
0xa9: {  	v13 =	vadd.s32 v14, v13;
	(v2sf) =	vpush v7, $0xA  }
0xaa: {  	[tilespmem:s17+$0x0] =	vst v13;
	s17 =	spop (v2sf)  }
0xab: {  	v13 =	vld [tilespmem:s17+$0x0];
	_ =	sdelay $0x3  }
0xac: {  	v12 =	vand.u32 v2, v12  }
0xad: {  	v12 =	vadd.s32 v12, v13;
	(v2sf) =	vpush v5, $0xB  }
0xae: {  	[tilespmem:s17+$0x0] =	vst v12;
	s17 =	spop (v2sf)  }
0xaf: {  	v12 =	vld [tilespmem:s17+$0x0];
	_ =	sdelay $0x3  }
0xb0: {  	v11 =	vand.u32 v2, v11  }
0xb1: {  	v11 =	vadd.s32 v11, v12;
	(v2sf) =	vpush v7, $0xC  }
0xb2: {  	[tilespmem:s17+$0x0] =	vst v11;
	s17 =	spop (v2sf)  }
0xb3: {  	v11 =	vld [tilespmem:s17+$0x0];
	_ =	sdelay $0x3  }
0xb4: {  	v10 =	vand.u32 v2, v10  }
0xb5: {  	v10 =	vadd.s32 v10, v11;
	(v2sf) =	vpush v5, $0xD  }
0xb6: {  	[tilespmem:s17+$0x0] =	vst v10;
	s17 =	spop (v2sf)  }
0xb7: {  	v10 =	vld [tilespmem:s17+$0x0];
	_ =	sdelay $0x3  }
0xb8: {  	v9 =	vand.u32 v2, v9  }
0xb9: {  	v9 =	vadd.s32 v9, v10;
	(v2sf) =	vpush v7, $0xE  }
0xba: {  	[tilespmem:s17+$0x0] =	vst v9;
	s17 =	spop (v2sf)  }
0xbb: {  	v7 =	vld [tilespmem:s17+$0x0];
	_ =	sdelay $0x3  }
0xbc: {  	v8 =	vand.u32 v2, v8  }
0xbd: {  	v7 =	vadd.s32 v8, v7;
	(v2sf) =	vpush v5, $0xF  }
0xbe: {  	[tilespmem:s17+$0x0] =	vst v7;
	s17 =	spop (v2sf)  }
0xbf: {  	v5 =	vld [tilespmem:s17+$0x0];
	_ =	sdelay $0x3  }
0xc0: {  	v6 =	vand.u32 v2, v6  }
0xc1: {  	v5 =	vadd.s32 v6, v5  }
0xc2: {  	[tilespmem:s17+$0x0] =	vst v5;
	s17 =	spop (v2sf)  }
0xc3: {  	v5 =	vld [tilespmem:s17+$0x0];
	_ =	sdelay $0x3  }
0xc4: {  	v4 =	vand.u32 v2, v4  }
0xc5: {  	v4 =	vadd.s32 v4, v5  }
0xc6: {  	[tilespmem:s17+$0x0] =	vst v4;
	s17 =	spop (v2sf)  }
0xc7: {  	v4 =	vld [tilespmem:s17+$0x0]  }
.Ltmp1:
0xc8: {  	(pc) =	sbr.rel @p0 .LBB2_4-.Ltmp1, $3  }
0xc9: {  	_ =	sdelay $0x1  }
0xca: {  	v3 =	vand.u32 v2, v3  }
0xcb: {  	v3 =	vadd.s32 v3, v4  }
0xcc: {  	s15 =	sshra.s32 s15, $0x2;
	[tilespmem:s17+$0x0] =	vst v3  }
0xcd: {  	v3 =	vld [tilespmem:s15+$0x0]  }
0xce: {  	v4 =	vld [tilespmem:s15+$0x2800];
	_ =	sdelay $0x3  }
0xcf: {  	v3 =	vmul.u32 $0xA0, v3  }
0xd0: {  	vm0 =	vgt.s32 v4, $0x9F  }
0xd1: {  	v47 =	vsel vm0, $0xFFFFFF60, v0;
	v3 =	vadd.s32 v4, v3  }
0xd2: {  	v3 =	vadd.s32 v47, v3  }
0xd3: {  	v4 =	vadd.s32 $0x5000, v3  }
0xd4: {  	(v2sf) =	vpush v4, $0x0;
	_ =	sdelay $0x5  }
0xd5: {  	v3 =	vadd.s32 $0x11880, v3  }
0xd6: {  	(v2sf) =	vpush v3, $0x1;
	_ =	sdelay $0x6  }
0xd7: {  	(v2sf) =	vpush v4, $0x2  }
0xd8: {  	s31 =	spop (v2sf)  }
0xd9: {  	v5 =	vld [tilespmem:s31+$0x0]  }
0xda: {  	v6 =	vsel vm0, $0x10000, v1  }
0xdb: {  	v7 =	vbroadcast v6, $0x0;
	_ =	sdelay $0x1  }
0xdc: {  	v7 =	vand.u32 v2, v7  }
0xdd: {  	(v2sf) =	vpush v3, $0x3;
	v5 =	vadd.s32 v5, v7  }
0xde: {  	s16 =	spop (v2sf);
	[tilespmem:s31+$0x0] =	vst v5  }
0xdf: {  	v5 =	vld [tilespmem:s16+$0x0];
	_ =	sdelay $0x1  }
0xe0: {  	v48 =	vbroadcast v6, $0x1;
	_ =	sdelay $0x1  }
0xe1: {  	v7 =	vand.u32 v2, v48  }
0xe2: {  	(v2sf) =	vpush v4, $0x4;
	v5 =	vadd.s32 v5, v7  }
0xe3: {  	s17 =	spop (v2sf);
	[tilespmem:s16+$0x0] =	vst v5  }
0xe4: {  	v5 =	vld [tilespmem:s17+$0x0];
	_ =	sdelay $0x1  }
0xe5: {  	v49 =	vbroadcast v6, $0x2;
	_ =	sdelay $0x1  }
0xe6: {  	v7 =	vand.u32 v2, v49  }
0xe7: {  	(v2sf) =	vpush v3, $0x5;
	v5 =	vadd.s32 v7, v5  }
0xe8: {  	s18 =	spop (v2sf);
	[tilespmem:s17+$0x0] =	vst v5  }
0xe9: {  	v5 =	vld [tilespmem:s18+$0x0];
	_ =	sdelay $0x1  }
0xea: {  	v50 =	vbroadcast v6, $0x3;
	_ =	sdelay $0x1  }
0xeb: {  	v7 =	vand.u32 v2, v50  }
0xec: {  	(v2sf) =	vpush v4, $0x6;
	v5 =	vadd.s32 v7, v5  }
0xed: {  	s19 =	spop (v2sf);
	[tilespmem:s18+$0x0] =	vst v5  }
0xee: {  	v5 =	vld [tilespmem:s19+$0x0];
	_ =	sdelay $0x1  }
0xef: {  	v51 =	vbroadcast v6, $0x4;
	_ =	sdelay $0x1  }
0xf0: {  	v7 =	vand.u32 v2, v51  }
0xf1: {  	(v2sf) =	vpush v3, $0x7;
	v5 =	vadd.s32 v7, v5  }
0xf2: {  	s20 =	spop (v2sf);
	[tilespmem:s19+$0x0] =	vst v5  }
0xf3: {  	v5 =	vld [tilespmem:s20+$0x0];
	_ =	sdelay $0x1  }
0xf4: {  	v52 =	vbroadcast v6, $0x5;
	_ =	sdelay $0x1  }
0xf5: {  	v7 =	vand.u32 v2, v52  }
0xf6: {  	(v2sf) =	vpush v4, $0x8;
	v5 =	vadd.s32 v7, v5  }
0xf7: {  	s21 =	spop (v2sf);
	[tilespmem:s20+$0x0] =	vst v5  }
0xf8: {  	v5 =	vld [tilespmem:s21+$0x0];
	_ =	sdelay $0x1  }
0xf9: {  	v53 =	vbroadcast v6, $0x6;
	_ =	sdelay $0x1  }
0xfa: {  	v7 =	vand.u32 v2, v53  }
0xfb: {  	(v2sf) =	vpush v3, $0x9;
	v5 =	vadd.s32 v7, v5  }
0xfc: {  	s22 =	spop (v2sf);
	[tilespmem:s21+$0x0] =	vst v5  }
0xfd: {  	v5 =	vld [tilespmem:s22+$0x0];
	_ =	sdelay $0x1  }
0xfe: {  	v54 =	vbroadcast v6, $0x7;
	_ =	sdelay $0x1  }
0xff: {  	v7 =	vand.u32 v2, v54  }
0x100: {  	(v2sf) =	vpush v4, $0xA;
	v5 =	vadd.s32 v7, v5  }
0x101: {  	s23 =	spop (v2sf);
	[tilespmem:s22+$0x0] =	vst v5  }
0x102: {  	v5 =	vld [tilespmem:s23+$0x0];
	_ =	sdelay $0x1  }
0x103: {  	v55 =	vbroadcast v6, $0x8;
	_ =	sdelay $0x1  }
0x104: {  	v7 =	vand.u32 v2, v55  }
0x105: {  	(v2sf) =	vpush v3, $0xB;
	v5 =	vadd.s32 v7, v5  }
0x106: {  	s24 =	spop (v2sf);
	[tilespmem:s23+$0x0] =	vst v5  }
0x107: {  	v5 =	vld [tilespmem:s24+$0x0];
	_ =	sdelay $0x1  }
0x108: {  	v56 =	vbroadcast v6, $0x9;
	_ =	sdelay $0x1  }
0x109: {  	v7 =	vand.u32 v2, v56  }
0x10a: {  	(v2sf) =	vpush v4, $0xC;
	v5 =	vadd.s32 v7, v5  }
0x10b: {  	s25 =	spop (v2sf);
	[tilespmem:s24+$0x0] =	vst v5  }
0x10c: {  	v5 =	vld [tilespmem:s25+$0x0];
	_ =	sdelay $0x1  }
0x10d: {  	v57 =	vbroadcast v6, $0xA;
	_ =	sdelay $0x1  }
0x10e: {  	v7 =	vand.u32 v2, v57  }
0x10f: {  	(v2sf) =	vpush v3, $0xD;
	v5 =	vadd.s32 v7, v5  }
0x110: {  	s26 =	spop (v2sf);
	[tilespmem:s25+$0x0] =	vst v5  }
0x111: {  	v5 =	vld [tilespmem:s26+$0x0];
	_ =	sdelay $0x1  }
0x112: {  	v58 =	vbroadcast v6, $0xB;
	_ =	sdelay $0x1  }
0x113: {  	v7 =	vand.u32 v2, v58  }
0x114: {  	(v2sf) =	vpush v4, $0xE;
	v5 =	vadd.s32 v7, v5  }
0x115: {  	s28 =	spop (v2sf);
	[tilespmem:s26+$0x0] =	vst v5  }
0x116: {  	v59 =	vld [tilespmem:s28+$0x0];
	_ =	sdelay $0x1  }
0x117: {  	v60 =	vbroadcast v6, $0xC;
	_ =	sdelay $0x1  }
0x118: {  	v5 =	vand.u32 v2, v60  }
0x119: {  	(v2sf) =	vpush v3, $0xF;
	v4 =	vadd.s32 v5, v59  }
0x11a: {  	s29 =	spop (v2sf);
	[tilespmem:s28+$0x0] =	vst v4  }
0x11b: {  	v3 =	vld [tilespmem:s29+$0x0];
	_ =	sdelay $0x1  }
0x11c: {  	v61 =	vbroadcast v6, $0xD;
	_ =	sdelay $0x1  }
0x11d: {  	v4 =	vand.u32 v2, v61  }
0x11e: {  	v3 =	vadd.s32 v4, v3  }
0x11f: {  	s30 =	spop (v2sf);
	[tilespmem:s29+$0x0] =	vst v3  }
0x120: {  	v3 =	vld [tilespmem:s30+$0x0];
	_ =	sdelay $0x1  }
0x121: {  	v62 =	vbroadcast v6, $0xE;
	_ =	sdelay $0x1  }
0x122: {  	v4 =	vand.u32 v2, v62  }
0x123: {  	v3 =	vadd.s32 v4, v3  }
0x124: {  	s31 =	spop (v2sf);
	[tilespmem:s30+$0x0] =	vst v3  }
0x125: {  	v3 =	vld [tilespmem:s31+$0x0];
	_ =	sdelay $0x1  }
0x126: {  	v63 =	vbroadcast v6, $0xF;
	_ =	sdelay $0x1  }
0x127: {  	v4 =	vand.u32 v2, v63  }
0x128: {  	v3 =	vadd.s32 v4, v3  }
0x129: {  	[tilespmem:s31+$0x0] =	vst v3  }
0x12a: {  	[hbm4b:s5+s8] =	stream.strided.scatter [tilespmem:s13], [sflag:$0x1], $0xC800, s12, s8, $0x38;
	[tilespmem:$0x1E100] =	vst v63  }
0x12b: {  	s2 =	sadd.s32 $0x1, s2;
	_ =	swait.ge [sflag:s10], $0xC800  }
0x12c: {  	p0 =	sne.s32 s2, s7;
	[sflag:s10] =	ssyncset.done $0x0  }
.Ltmp2:
0x12d: {  	[sflag:s10] =	ssyncadd.s32 $0xFFFF3800;
	(pc) =	sbr.rel @p0 .LBB2_1-.Ltmp2, $4  }
0x12e: {  	[hbm4b:s6+s8] =	stream.strided.scatter [tilespmem:s14], [sflag:$0x1], $0xC800, s12, s8, $0x38;
	[tilespmem:$0x1E100] =	vst v63  }
0x12f: {  	_ =	swait.ge [sflag:s10], $0xC800  }
0x130: {  	[sflag:s10] =	ssyncset.done $0x0  }
0x131: {  	[sflag:s10] =	ssyncadd.s32 $0xFFFF3800  }
0x132: {  	_ =	sfence.sel $0x180000  }
0x133: {  	[bflag:$0x0] =	sbarrier.arrive $0xFFFF  }
0x134: {  	p0 =	sne.s32 s0, $0x0;
	_ =	strace $0x90000047  }
0x135: {  	s0 =	sadd.s32 @!p0 $0x100000, s1;
	[bflag:$0x2] =	sbarrier.arrive $0xFFFF  }
0x136: {  	[sflag:s0] =	ssyncadd.tile.s32 @!p0 $0x1;
	_ =	shalt  }
.Lfunc_end2:
_tile_overlayer_lowered:
.L_overlay_start_2:
0x137: {  	(tag) =	ssettag $0x2  }
0x138: {  	s0 =	rddreg [dreg:$0x0];
	s2 =	stileid.u32  }
0x139: {  	s1 =	rddreg [dreg:$0x1];
	p0 =	sne.s32 s2, $0x0  }
0x13a: {  	s3 =	rddreg [dreg:$0x2];
	[bflag:$0x3] =	sbarrier.arrive $0xFFFF;
	s2 =	simm.s32 @!p0 $0x1C01  }
0x13b: {  	[timem:s3], [sflag:s2] =	dma.local @!p0 [hbm:s0], s1  }
0x13c: {  	s0 =	simm.s32 @!p0 $0x1  }
0x13d: {  	_ =	swait.ge @!p0 [sflag:s0], s1  }
0x13e: {  	s1 =	ssub.s32 @!p0 $0x0, s1;
	[sflag:s0] =	ssyncset.done @!p0 $0x0  }
0x13f: {  	[sflag:s0] =	ssyncadd.s32 @!p0 s1  }
0x140: {  	[bflag:$0x3] =	sbarrier.arrive $0xFFFF  }
0x141: {  	_ =	shalt  }

</sc_bundles>
